<compile_context>
chip_gen: v7x
topology: tpu7x:2x2x1
jax: 0.10.2.dev20260603
libtpu: 0.0.44.dev20260713+nightly
codegen_flags: <defaults>
</compile_context>

<pallas_src>
import functools

import jax
import jax.numpy as jnp
from jax import lax
from jax.experimental import pallas as pl
from jax.experimental.pallas import tpu as pltpu
from jax.experimental.pallas import tpu_sc as plsc

NC = 2
NS = 16
LANES = 16
K = 64


def _matmul_h_body(x_ref, w_ref, o_ref):
    o_ref[...] = jnp.dot(x_ref[...], w_ref[...],
                         preferred_element_type=jnp.float32)


def _gate_body(ef_ref, w_ref, o_ref):
    o_ref[...] = jnp.maximum(
        jnp.dot(ef_ref[...], w_ref[...], preferred_element_type=jnp.float32),
        0.0)


def _final_body(h_ref, a0_ref, a1_ref, b_ref, wout_ref, o_ref):
    n, d = h_ref.shape
    g = o_ref.shape[0]
    h2 = jnp.maximum(h_ref[...] + a0_ref[...] + a1_ref[...], 0.0)
    onehot = (b_ref[...] == lax.broadcasted_iota(jnp.int32, (n, g), 1)
              ).astype(jnp.float32)
    pooled = lax.dot_general(onehot, h2, (((0,), (0,)), ((), ())),
                             preferred_element_type=jnp.float32)
    counts = lax.dot_general(onehot, jnp.ones((n, 1), jnp.float32),
                             (((0,), (0,)), ((), ())),
                             preferred_element_type=jnp.float32)
    pooled = pooled / jnp.maximum(counts, 1.0)
    o_ref[...] = lax.dot_general(pooled, wout_ref[...],
                                 (((1,), (0,)), ((), ())),
                                 preferred_element_type=jnp.float32)


def _make_sc_scatter(n, d, ep):
    per_w = ep // (NC * NS)
    nblk = per_w // K
    npad = ((n + NS * K - 1) // (NS * K)) * NS * K
    rows_per_tile = npad // NS
    zrows = 2 * K
    nzdump = rows_per_tile // zrows
    ndump = 2
    rows_per_dump = rows_per_tile // ndump
    nvr = d // LANES

    assert nblk % 2 == 0 and rows_per_tile % zrows == 0
    assert rows_per_tile % (8 * ndump) == 0
    mesh = plsc.VectorSubcoreMesh(core_axis_name="c", subcore_axis_name="s")

    @functools.partial(
        pl.kernel,
        out_type=jax.ShapeDtypeStruct((NC * npad, d), jnp.float32),
        mesh=mesh,
        scratch_types=[
            pltpu.VMEM((K,), jnp.int32),
            pltpu.VMEM((K,), jnp.int32),
            pltpu.VMEM((K,), jnp.int32),
            pltpu.VMEM((K,), jnp.int32),
            pltpu.VMEM((2 * K, d), jnp.float32),
            pltpu.VMEM((2 * K, d), jnp.float32),
            pltpu.VMEM_SHARED((npad, d), jnp.float32),
            pltpu.SemaphoreType.DMA,
            pltpu.SemaphoreType.DMA,
            pltpu.SemaphoreType.DMA,
            pltpu.SemaphoreType.DMA,
            pltpu.SemaphoreType.DMA,
            pltpu.SemaphoreType.DMA,
            pltpu.SemaphoreType.DMA,
            pltpu.SemaphoreType.DMA,
            pltpu.SemaphoreType.DMA,
            pltpu.SemaphoreType.DMA,
        ],
    )
    def sc_scatter(h_hbm, gate_hbm, src_hbm, dst_hbm, out_hbm,
                   sb0, sb1, db0, db1, hrows, grows, agg_sh,
                   qs0, qs1, qd0, qd1, sg0, sg1, sh0, sh1, ss0, ss1):
        cid = lax.axis_index("c")
        sid = lax.axis_index("s")
        wid = cid * NS + sid
        sbufs, dbufs = (sb0, sb1), (db0, db1)
        qss, qds = (qs0, qs1), (qd0, qd1)
        sgs, shs, sss = (sg0, sg1), (sh0, sh1), (ss0, ss1)
        hslc = (hrows.at[pl.ds(0, K)], hrows.at[pl.ds(K, K)])
        gslc = (grows.at[pl.ds(0, K)], grows.at[pl.ds(K, K)])

        zero = jnp.zeros((LANES,), jnp.float32)

        def zrow(j, _):
            for v in range(nvr):
                grows[j, pl.ds(v * LANES, LANES)] = zero
            return 0
        lax.fori_loop(0, zrows, zrow, 0)

        def zdump(r, _):
            pltpu.sync_copy(
                grows.at[pl.ds(0, zrows)],
                agg_sh.at[pl.ds(sid * rows_per_tile + r * zrows, zrows)])
            return 0
        lax.fori_loop(0, nzdump, zdump, 0)
        plsc.subcore_barrier()

        ebase = wid * per_w

        def issue_src(blk, ph):
            pltpu.async_copy(src_hbm.at[pl.ds(ebase + blk * K, K)],
                             sbufs[ph], qss[ph])

        def issue_dst(blk, ph):
            pltpu.async_copy(dst_hbm.at[pl.ds(ebase + blk * K, K)],
                             dbufs[ph], qds[ph])

        def wait_idx(q, buf):
            pltpu.make_async_copy(src_hbm.at[pl.ds(ebase, K)], buf, q).wait()

        def issue_fetch(blk, ph):
            pltpu.async_copy(gate_hbm.at[pl.ds(ebase + blk * K, K)],
                             gslc[ph], sgs[ph])
            pltpu.async_copy(h_hbm.at[sbufs[ph]], hslc[ph], shs[ph])

        issue_src(0, 0)
        issue_src(1, 1)
        issue_dst(0, 0)
        wait_idx(qss[0], sbufs[0])
        issue_fetch(0, 0)

        def pair(p, _):
            for phase in range(2):
                blk = 2 * p + phase
                nxtph = 1 - phase

                @pl.when(blk >= 1)
                def _():
                    pltpu.make_async_copy(gslc[nxtph],
                                          agg_sh.at[dbufs[nxtph]],
                                          sss[nxtph]).wait()

                @pl.when(blk + 1 < nblk)
                def _():
                    wait_idx(qss[nxtph], sbufs[nxtph])
                    issue_fetch(blk + 1, nxtph)

                pltpu.make_async_copy(
                    gate_hbm.at[pl.ds(ebase + blk * K, K)],
                    gslc[phase], sgs[phase]).wait()
                pltpu.make_async_copy(
                    h_hbm.at[sbufs[phase]], hslc[phase], shs[phase]).wait()

                @pl.when(blk + 2 < nblk)
                def _():
                    issue_src(blk + 2, phase)

                @pl.when(blk + 1 < nblk)
                def _():
                    issue_dst(blk + 1, nxtph)

                base_r = phase * K

                def mrow(j, _):
                    for v in range(nvr):
                        sl = pl.ds(v * LANES, LANES)
                        grows[base_r + j, sl] = (grows[base_r + j, sl] *
                                                 hrows[base_r + j, sl])
                    return 0
                lax.fori_loop(0, K, mrow, 0)

                wait_idx(qds[phase], dbufs[phase])
                pltpu.async_copy(gslc[phase], agg_sh.at[dbufs[phase]],
                                 sss[phase], add=True)
            return 0
        lax.fori_loop(0, nblk // 2, pair, 0)

        pltpu.make_async_copy(gslc[1], agg_sh.at[dbufs[1]], sss[1]).wait()

        plsc.subcore_barrier()

        def dump(r, _):
            start = sid * rows_per_tile + r * rows_per_dump
            pltpu.sync_copy(agg_sh.at[pl.ds(start, rows_per_dump)],
                            out_hbm.at[pl.ds(cid * npad + start,
                                             rows_per_dump)])
            return 0
        lax.fori_loop(0, ndump, dump, 0)

    return sc_scatter


def kernel(x, edge_occu, edge_src, edge_dst, edge_vec, edge_attr, edge_num,
           batch, W_in, W_e, W_out):
    n, d = x.shape
    e = edge_src.shape[0]
    de = edge_attr.shape[1]
    g = edge_num.shape[0]

    chunk = 2 * NC * NS * K
    ep = ((e + chunk - 1) // chunk) * chunk

    h = pl.pallas_call(
        _matmul_h_body,
        out_shape=jax.ShapeDtypeStruct((n, d), jnp.float32),
    )(x, W_in)

    ef = jnp.concatenate([edge_attr, edge_vec, edge_occu[:, None]], axis=1)
    ef = jnp.pad(ef, ((0, ep - e), (0, 0)))
    be = 4096
    gate = pl.pallas_call(
        _gate_body,
        grid=(ep // be,),
        in_specs=[pl.BlockSpec((be, de + 4), lambda i: (i, 0)),
                  pl.BlockSpec((de + 4, d), lambda i: (0, 0))],
        out_specs=pl.BlockSpec((be, d), lambda i: (i, 0)),
        out_shape=jax.ShapeDtypeStruct((ep, d), jnp.float32),
    )(ef, W_e)

    src_p = jnp.pad(edge_src.astype(jnp.int32), (0, ep - e))
    dst_p = jnp.pad(edge_dst.astype(jnp.int32), (0, ep - e))

    npad = ((n + NS * K - 1) // (NS * K)) * NS * K
    agg_raw = _make_sc_scatter(n, d, ep)(h, gate, src_p, dst_p)
    agg_parts = agg_raw.reshape(NC, npad, d)[:, :n, :]
    out = pl.pallas_call(
        _final_body,
        out_shape=jax.ShapeDtypeStruct((g, 1), jnp.float32),
    )(h, agg_parts[0], agg_parts[1], batch.astype(jnp.int32)[:, None], W_out)
    return out

# --- scband reference (transcript-rebuilt; emitter-appended) ---
"""Pipeline reference for scband-expert-53163105190599 (READ-ONLY COPY).

The authoritative reference and input builder live on the scoring server;
editing this copy changes nothing except your own understanding.
"""

import jax, jax.numpy as jnp
import numpy as np

N = 10000
E = 320000
D = 128
DE = 16
G = 16


def setup_inputs(seed: int = 0) -> dict:
    key = jax.random.key(seed)
    ks = jax.random.split(key, 11)
    x = jax.random.normal(ks[0], (N, D), dtype=jnp.float32)
    edge_occu = jax.random.uniform(ks[1], (E,), dtype=jnp.float32)
    edge_src = jax.random.randint(ks[2], (E,), 0, N)
    edge_dst = jax.random.randint(ks[3], (E,), 0, N)
    edge_vec = jax.random.normal(ks[4], (E, 3), dtype=jnp.float32)
    edge_attr = jax.random.normal(ks[5], (E, DE), dtype=jnp.float32)
    edge_num = jax.random.randint(ks[6], (G,), 0, E)
    batch = jnp.sort(jax.random.randint(ks[7], (N,), 0, G))
    W_in = jax.random.normal(ks[8], (D, D), dtype=jnp.float32) * 0.05
    W_e = jax.random.normal(ks[9], (DE + 4, D), dtype=jnp.float32) * 0.05
    W_out = jax.random.normal(ks[10], (D, 1), dtype=jnp.float32) * 0.05
    return {"x": x, "edge_occu": edge_occu, "edge_src": edge_src,
            "edge_dst": edge_dst, "edge_vec": edge_vec, "edge_attr": edge_attr,
            "edge_num": edge_num, "batch": batch,
            "W_in": W_in, "W_e": W_e, "W_out": W_out}


def reference(x, edge_occu, edge_src, edge_dst, edge_vec, edge_attr, edge_num, batch, W_in, W_e, W_out):
    # Expert wrapper: self.gnn(x, edge_occu, edge_src, edge_dst, edge_vec, edge_attr, edge_num, batch)
    # Canonical edge-gated message-passing GNN with graph-level readout.
    h = x @ W_in  # [N, D]
    # Edge feature: concat(edge_attr, edge_vec, edge_occu)
    ef = jnp.concatenate([edge_attr, edge_vec, edge_occu[:, None]], axis=1)  # [E, DE+4]
    gate = jax.nn.relu(ef @ W_e)  # [E, D]
    # Gather source-node features (SparseCore gather)
    msg = jnp.take(h, edge_src, axis=0) * gate  # [E, D]
    # Scatter-add messages to destination nodes (SparseCore scatter-add)
    agg = jax.ops.segment_sum(msg, edge_dst, num_segments=N)  # [N, D]
    h2 = jax.nn.relu(h + agg)
    # Mean-pool per graph using batch ids (segment reduce)
    counts = jax.ops.segment_sum(jnp.ones((N,), jnp.float32), batch, num_segments=G)
    pooled = jax.ops.segment_sum(h2, batch, num_segments=G) / jnp.clip(counts, 1.0)[:, None]
    out = pooled @ W_out  # [G, 1]
    return out

if __name__ == "__main__":
    import jax
    _d = setup_inputs()
    print(jax.jit(kernel)(*tuple(_d.values())))

</pallas_src>

<mosaic_0001>
#map = affine_map<(d0, d1) -> (0, 0)>
#map1 = affine_map<(d0, d1) -> (0)>
module attributes {stable_mosaic.version = 14 : i64} {
  func.func @sc_scatter(%arg0: i32, %arg1: i32, %arg2: memref<10000x128xf32, #tpu.memory_space<hbm>>, %arg3: memref<323584x128xf32, #tpu.memory_space<hbm>>, %arg4: memref<323584xi32, #tpu.memory_space<hbm>>, %arg5: memref<323584xi32, #tpu.memory_space<hbm>>, %arg6: memref<20480x128xf32, #tpu.memory_space<hbm>>, %arg7: memref<64xi32, #tpu.memory_space<vmem>>, %arg8: memref<64xi32, #tpu.memory_space<vmem>>, %arg9: memref<64xi32, #tpu.memory_space<vmem>>, %arg10: memref<64xi32, #tpu.memory_space<vmem>>, %arg11: memref<128x128xf32, #tpu.memory_space<vmem>>, %arg12: memref<128x128xf32, #tpu.memory_space<vmem>>, %arg13: memref<10240x128xf32, #tpu.memory_space<vmem_shared>>, %arg14: memref<!tpu.dma_semaphore, #tpu.memory_space<semaphore_mem>>, %arg15: memref<!tpu.dma_semaphore, #tpu.memory_space<semaphore_mem>>, %arg16: memref<!tpu.dma_semaphore, #tpu.memory_space<semaphore_mem>>, %arg17: memref<!tpu.dma_semaphore, #tpu.memory_space<semaphore_mem>>, %arg18: memref<!tpu.dma_semaphore, #tpu.memory_space<semaphore_mem>>, %arg19: memref<!tpu.dma_semaphore, #tpu.memory_space<semaphore_mem>>, %arg20: memref<!tpu.dma_semaphore, #tpu.memory_space<semaphore_mem>>, %arg21: memref<!tpu.dma_semaphore, #tpu.memory_space<semaphore_mem>>, %arg22: memref<!tpu.dma_semaphore, #tpu.memory_space<semaphore_mem>>, %arg23: memref<!tpu.dma_semaphore, #tpu.memory_space<semaphore_mem>>) attributes {dimension_semantics = [#tpu.dimension_semantics<core_parallel>, #tpu.dimension_semantics<subcore_parallel>], iteration_bounds = array<i64: 2, 16>, scalar_prefetch = 0 : i64, scratch_operands = 17 : i64, tpu.core_type = #tpu.core_type<sc_vector_subcore>, window_params = [{transform_indices = #map}, {transform_indices = #map}, {transform_indices = #map1}, {transform_indices = #map1}, {transform_indices = #map}]} {
    %mul3A = arith.constant 16 : i32
    %mul3A_0 = arith.muli %arg0, %mul3A : i32
    %add3A = arith.addi %mul3A_0, %arg1 : i32
    %broadcast_in_dim3A = arith.constant 0.000000e+00 : f32
    %broadcast_in_dim3A_1 = vector.broadcast %broadcast_in_dim3A : f32 to vector<16xf32>
    %scan3A = arith.constant 0 : i32
    %scan3A_2 = arith.constant 0 : i32
    %scan3A_3 = arith.constant 128 : i32
    %scan3A_4 = arith.addi %scan3A_2, %scan3A_3 : i32
    %scan3A_5 = arith.constant 1 : i32
    %scan3A_6 = scf.for %scan3A_68 = %scan3A_2 to %scan3A_4 step %scan3A_5 iter_args(%scan3A_69 = %scan3A) -> (i32)  : i32 {
      %swap3A = arith.index_cast %scan3A_68 : i32 to index
      %swap3A_70 = arith.constant 0 : index
      %swap3A_71 = tpu.vector_load %arg12[%swap3A, %swap3A_70] {strides = array<i32>} : memref<128x128xf32, #tpu.memory_space<vmem>>, vector<1x16xf32>,
      %swap3A_72 = vector.shape_cast %swap3A_71 : vector<1x16xf32> to vector<16xf32>
      %swap3A_73 = vector.shape_cast %broadcast_in_dim3A_1 : vector<16xf32> to vector<1x16xf32>
      tpu.vector_store %arg12[%swap3A, %swap3A_70], %swap3A_73 {strides = array<i32>} : memref<128x128xf32, #tpu.memory_space<vmem>>, vector<1x16xf32>,
      %swap3A_74 = arith.index_cast %scan3A_68 : i32 to index
      %swap3A_75 = arith.constant 16 : index
      %swap3A_76 = tpu.vector_load %arg12[%swap3A_74, %swap3A_75] {strides = array<i32>} : memref<128x128xf32, #tpu.memory_space<vmem>>, vector<1x16xf32>,
      %swap3A_77 = vector.shape_cast %swap3A_76 : vector<1x16xf32> to vector<16xf32>
      %swap3A_78 = vector.shape_cast %broadcast_in_dim3A_1 : vector<16xf32> to vector<1x16xf32>
      tpu.vector_store %arg12[%swap3A_74, %swap3A_75], %swap3A_78 {strides = array<i32>} : memref<128x128xf32, #tpu.memory_space<vmem>>, vector<1x16xf32>,
      %swap3A_79 = arith.index_cast %scan3A_68 : i32 to index
      %swap3A_80 = arith.constant 32 : index
      %swap3A_81 = tpu.vector_load %arg12[%swap3A_79, %swap3A_80] {strides = array<i32>} : memref<128x128xf32, #tpu.memory_space<vmem>>, vector<1x16xf32>,
      %swap3A_82 = vector.shape_cast %swap3A_81 : vector<1x16xf32> to vector<16xf32>
      %swap3A_83 = vector.shape_cast %broadcast_in_dim3A_1 : vector<16xf32> to vector<1x16xf32>
      tpu.vector_store %arg12[%swap3A_79, %swap3A_80], %swap3A_83 {strides = array<i32>} : memref<128x128xf32, #tpu.memory_space<vmem>>, vector<1x16xf32>,
      %swap3A_84 = arith.index_cast %scan3A_68 : i32 to index
      %swap3A_85 = arith.constant 48 : index
      %swap3A_86 = tpu.vector_load %arg12[%swap3A_84, %swap3A_85] {strides = array<i32>} : memref<128x128xf32, #tpu.memory_space<vmem>>, vector<1x16xf32>,
      %swap3A_87 = vector.shape_cast %swap3A_86 : vector<1x16xf32> to vector<16xf32>
      %swap3A_88 = vector.shape_cast %broadcast_in_dim3A_1 : vector<16xf32> to vector<1x16xf32>
      tpu.vector_store %arg12[%swap3A_84, %swap3A_85], %swap3A_88 {strides = array<i32>} : memref<128x128xf32, #tpu.memory_space<vmem>>, vector<1x16xf32>,
      %swap3A_89 = arith.index_cast %scan3A_68 : i32 to index
      %swap3A_90 = arith.constant 64 : index
      %swap3A_91 = tpu.vector_load %arg12[%swap3A_89, %swap3A_90] {strides = array<i32>} : memref<128x128xf32, #tpu.memory_space<vmem>>, vector<1x16xf32>,
      %swap3A_92 = vector.shape_cast %swap3A_91 : vector<1x16xf32> to vector<16xf32>
      %swap3A_93 = vector.shape_cast %broadcast_in_dim3A_1 : vector<16xf32> to vector<1x16xf32>
      tpu.vector_store %arg12[%swap3A_89, %swap3A_90], %swap3A_93 {strides = array<i32>} : memref<128x128xf32, #tpu.memory_space<vmem>>, vector<1x16xf32>,
      %swap3A_94 = arith.index_cast %scan3A_68 : i32 to index
      %swap3A_95 = arith.constant 80 : index
      %swap3A_96 = tpu.vector_load %arg12[%swap3A_94, %swap3A_95] {strides = array<i32>} : memref<128x128xf32, #tpu.memory_space<vmem>>, vector<1x16xf32>,
      %swap3A_97 = vector.shape_cast %swap3A_96 : vector<1x16xf32> to vector<16xf32>
      %swap3A_98 = vector.shape_cast %broadcast_in_dim3A_1 : vector<16xf32> to vector<1x16xf32>
      tpu.vector_store %arg12[%swap3A_94, %swap3A_95], %swap3A_98 {strides = array<i32>} : memref<128x128xf32, #tpu.memory_space<vmem>>, vector<1x16xf32>,
      %swap3A_99 = arith.index_cast %scan3A_68 : i32 to index
      %swap3A_100 = arith.constant 96 : index
      %swap3A_101 = tpu.vector_load %arg12[%swap3A_99, %swap3A_100] {strides = array<i32>} : memref<128x128xf32, #tpu.memory_space<vmem>>, vector<1x16xf32>,
      %swap3A_102 = vector.shape_cast %swap3A_101 : vector<1x16xf32> to vector<16xf32>
      %swap3A_103 = vector.shape_cast %broadcast_in_dim3A_1 : vector<16xf32> to vector<1x16xf32>
      tpu.vector_store %arg12[%swap3A_99, %swap3A_100], %swap3A_103 {strides = array<i32>} : memref<128x128xf32, #tpu.memory_space<vmem>>, vector<1x16xf32>,
      %swap3A_104 = arith.index_cast %scan3A_68 : i32 to index
      %swap3A_105 = arith.constant 112 : index
      %swap3A_106 = tpu.vector_load %arg12[%swap3A_104, %swap3A_105] {strides = array<i32>} : memref<128x128xf32, #tpu.memory_space<vmem>>, vector<1x16xf32>,
      %swap3A_107 = vector.shape_cast %swap3A_106 : vector<1x16xf32> to vector<16xf32>
      %swap3A_108 = vector.shape_cast %broadcast_in_dim3A_1 : vector<16xf32> to vector<1x16xf32>
      tpu.vector_store %arg12[%swap3A_104, %swap3A_105], %swap3A_108 {strides = array<i32>} : memref<128x128xf32, #tpu.memory_space<vmem>>, vector<1x16xf32>,
      %scan3A_109 = arith.constant 0 : i32
      scf.yield %scan3A_109 : i32
    }
    %scan3A_7 = arith.constant 128 : i32
    %scan3A_8 = arith.constant 0 : i32
    %scan3A_9 = arith.constant 0 : i32
    %scan3A_10 = arith.constant 5 : i32
    %scan3A_11 = arith.addi %scan3A_9, %scan3A_10 : i32
    %scan3A_12 = arith.constant 1 : i32
    %scan3A_13 = scf.for %scan3A_68 = %scan3A_9 to %scan3A_11 step %scan3A_12 iter_args(%scan3A_69 = %scan3A_8) -> (i32)  : i32 {
      %mul3A_70 = arith.constant 640 : i32
      %mul3A_71 = arith.muli %arg1, %mul3A_70 : i32
      %mul3A_72 = arith.constant 128 : i32
      %mul3A_73 = arith.muli %scan3A_68, %mul3A_72 : i32
      %add3A_74 = arith.addi %mul3A_71, %mul3A_73 : i32
      "tpu.region"() ({
        %run_scoped3A = tpu.sem_alloc : memref<!tpu.dma_semaphore, #tpu.memory_space<semaphore_mem>>
        %dma_start3A_76 = arith.constant 0 : i32
        %dma_start3A_77 = arith.constant 0 : i32
        %dma_start3A_78 = tpu.memref_slice %arg12[%dma_start3A_76, %dma_start3A_77] : memref<128x128xf32, #tpu.memory_space<vmem>> -> memref<128x128xf32, #tpu.memory_space<vmem>>
        %dma_start3A_79 = arith.constant 0 : i32
        %dma_start3A_80 = tpu.memref_slice %arg13[%add3A_74, %dma_start3A_79] : memref<10240x128xf32, #tpu.memory_space<vmem_shared>> -> memref<128x128xf32, #tpu.memory_space<vmem_shared>>
        %dma_start3A_81 = arith.constant 0 : i32
        %dma_start3A_82 = tpu.memref_slice %arg13[%add3A_74, %dma_start3A_81] : memref<10240x128xf32, #tpu.memory_space<vmem_shared>> -> memref<128x128xf32, #tpu.memory_space<vmem_shared>>
        %dma_start3A_83 = arith.constant 0 : i32
        %dma_start3A_84 = arith.constant 0 : i32
        %dma_start3A_85 = tpu.memref_slice %arg12[%dma_start3A_83, %dma_start3A_84] : memref<128x128xf32, #tpu.memory_space<vmem>> -> memref<128x128xf32, #tpu.memory_space<vmem>>
        tpu.enqueue_dma source(%dma_start3A_85 : memref<128x128xf32, #tpu.memory_space<vmem>>) target(%dma_start3A_82 : memref<128x128xf32, #tpu.memory_space<vmem_shared>>) target_semaphore(%run_scoped3A : memref<!tpu.dma_semaphore, #tpu.memory_space<semaphore_mem>>)
        %dma_wait3A_86 = arith.constant 0 : i32
        %dma_wait3A_87 = arith.constant 0 : i32
        %dma_wait3A_88 = tpu.memref_slice %arg12[%dma_wait3A_86, %dma_wait3A_87] : memref<128x128xf32, #tpu.memory_space<vmem>> -> memref<128x128xf32, #tpu.memory_space<vmem>>
        %dma_wait3A_89 = arith.constant 0 : i32
        %dma_wait3A_90 = tpu.memref_slice %arg13[%add3A_74, %dma_wait3A_89] : memref<10240x128xf32, #tpu.memory_space<vmem_shared>> -> memref<128x128xf32, #tpu.memory_space<vmem_shared>>
        %dma_wait3A_91 = arith.constant 0 : i32
        %dma_wait3A_92 = tpu.memref_slice %arg13[%add3A_74, %dma_wait3A_91] : memref<10240x128xf32, #tpu.memory_space<vmem_shared>> -> memref<128x128xf32, #tpu.memory_space<vmem_shared>>
        %dma_wait3A_93 = arith.constant 0 : i32
        %dma_wait3A_94 = arith.constant 0 : i32
        %dma_wait3A_95 = tpu.memref_slice %arg12[%dma_wait3A_93, %dma_wait3A_94] : memref<128x128xf32, #tpu.memory_space<vmem>> -> memref<128x128xf32, #tpu.memory_space<vmem>>
        tpu.wait_dma2 semaphore(%run_scoped3A : memref<!tpu.dma_semaphore, #tpu.memory_space<semaphore_mem>>) src(%dma_wait3A_95 : memref<128x128xf32, #tpu.memory_space<vmem>>) dst(%dma_wait3A_92 : memref<128x128xf32, #tpu.memory_space<vmem_shared>>)
        tpu.yield
      }) : () -> ()
      %scan3A_75 = arith.constant 0 : i32
      scf.yield %scan3A_75 : i32
    }
    %scan3A_14 = arith.constant 5 : i32
    %barrier3A = arith.constant 0 : index
    tpu.barrier barrier_id(%barrier3A)
    %mul3A_15 = arith.constant 10112 : i32
    %mul3A_16 = arith.muli %add3A, %mul3A_15 : i32
    %add3A_17 = arith.constant 0 : i32
    %add3A_18 = arith.addi %mul3A_16, %add3A_17 : i32
    %dma_start3A = tpu.memref_slice %arg4[%add3A_18] : memref<323584xi32, #tpu.memory_space<hbm>> -> memref<64xi32, #tpu.memory_space<hbm>>
    %dma_start3A_19 = tpu.memref_slice %arg4[%add3A_18] : memref<323584xi32, #tpu.memory_space<hbm>> -> memref<64xi32, #tpu.memory_space<hbm>>
    tpu.enqueue_dma source(%dma_start3A_19 : memref<64xi32, #tpu.memory_space<hbm>>) target(%arg7 : memref<64xi32, #tpu.memory_space<vmem>>) target_semaphore(%arg14 : memref<!tpu.dma_semaphore, #tpu.memory_space<semaphore_mem>>)
    %add3A_20 = arith.constant 64 : i32
    %add3A_21 = arith.addi %mul3A_16, %add3A_20 : i32
    %dma_start3A_22 = tpu.memref_slice %arg4[%add3A_21] : memref<323584xi32, #tpu.memory_space<hbm>> -> memref<64xi32, #tpu.memory_space<hbm>>
    %dma_start3A_23 = tpu.memref_slice %arg4[%add3A_21] : memref<323584xi32, #tpu.memory_space<hbm>> -> memref<64xi32, #tpu.memory_space<hbm>>
    tpu.enqueue_dma source(%dma_start3A_23 : memref<64xi32, #tpu.memory_space<hbm>>) target(%arg8 : memref<64xi32, #tpu.memory_space<vmem>>) target_semaphore(%arg15 : memref<!tpu.dma_semaphore, #tpu.memory_space<semaphore_mem>>)
    %add3A_24 = arith.constant 0 : i32
    %add3A_25 = arith.addi %mul3A_16, %add3A_24 : i32
    %dma_start3A_26 = tpu.memref_slice %arg5[%add3A_25] : memref<323584xi32, #tpu.memory_space<hbm>> -> memref<64xi32, #tpu.memory_space<hbm>>
    %dma_start3A_27 = tpu.memref_slice %arg5[%add3A_25] : memref<323584xi32, #tpu.memory_space<hbm>> -> memref<64xi32, #tpu.memory_space<hbm>>
    tpu.enqueue_dma source(%dma_start3A_27 : memref<64xi32, #tpu.memory_space<hbm>>) target(%arg9 : memref<64xi32, #tpu.memory_space<vmem>>) target_semaphore(%arg16 : memref<!tpu.dma_semaphore, #tpu.memory_space<semaphore_mem>>)
    %dma_wait3A = tpu.memref_slice %arg4[%mul3A_16] : memref<323584xi32, #tpu.memory_space<hbm>> -> memref<64xi32, #tpu.memory_space<hbm>>
    %dma_wait3A_28 = tpu.memref_slice %arg4[%mul3A_16] : memref<323584xi32, #tpu.memory_space<hbm>> -> memref<64xi32, #tpu.memory_space<hbm>>
    tpu.wait_dma2 semaphore(%arg14 : memref<!tpu.dma_semaphore, #tpu.memory_space<semaphore_mem>>) src(%dma_wait3A_28 : memref<64xi32, #tpu.memory_space<hbm>>) dst(%arg7 : memref<64xi32, #tpu.memory_space<vmem>>)
    %add3A_29 = arith.constant 0 : i32
    %add3A_30 = arith.addi %mul3A_16, %add3A_29 : i32
    %dma_start3A_31 = arith.constant 0 : i32
    %dma_start3A_32 = arith.constant 0 : i32
    %dma_start3A_33 = tpu.memref_slice %arg12[%dma_start3A_31, %dma_start3A_32] : memref<128x128xf32, #tpu.memory_space<vmem>> -> memref<64x128xf32, #tpu.memory_space<vmem>>
    %dma_start3A_34 = arith.constant 0 : i32
    %dma_start3A_35 = tpu.memref_slice %arg3[%add3A_30, %dma_start3A_34] : memref<323584x128xf32, #tpu.memory_space<hbm>> -> memref<64x128xf32, #tpu.memory_space<hbm>>
    %dma_start3A_36 = arith.constant 0 : i32
    %dma_start3A_37 = arith.constant 0 : i32
    %dma_start3A_38 = tpu.memref_slice %arg12[%dma_start3A_36, %dma_start3A_37] : memref<128x128xf32, #tpu.memory_space<vmem>> -> memref<64x128xf32, #tpu.memory_space<vmem>>
    %dma_start3A_39 = arith.constant 0 : i32
    %dma_start3A_40 = tpu.memref_slice %arg3[%add3A_30, %dma_start3A_39] : memref<323584x128xf32, #tpu.memory_space<hbm>> -> memref<64x128xf32, #tpu.memory_space<hbm>>
    tpu.enqueue_dma source(%dma_start3A_40 : memref<64x128xf32, #tpu.memory_space<hbm>>) target(%dma_start3A_38 : memref<64x128xf32, #tpu.memory_space<vmem>>) target_semaphore(%arg18 : memref<!tpu.dma_semaphore, #tpu.memory_space<semaphore_mem>>)
    %dma_start3A_41 = arith.constant 0 : i32
    %dma_start3A_42 = arith.constant 0 : i32
    %dma_start3A_43 = tpu.memref_slice %arg11[%dma_start3A_41, %dma_start3A_42] : memref<128x128xf32, #tpu.memory_space<vmem>> -> memref<64x128xf32, #tpu.memory_space<vmem>>
    %dma_start3A_44 = arith.constant 0 : i32
    %dma_start3A_45 = arith.constant 0 : i32
    %dma_start3A_46 = tpu.memref_slice %arg2[%dma_start3A_44, %dma_start3A_45] : memref<10000x128xf32, #tpu.memory_space<hbm>> -> memref<10000x128xf32, #tpu.memory_space<hbm>>
    tpu.enqueue_indirect_dma source(%dma_start3A_46 : memref<10000x128xf32, #tpu.memory_space<hbm>>) target(%dma_start3A_43 : memref<64x128xf32, #tpu.memory_space<vmem>>) offsets(%arg7 : memref<64xi32, #tpu.memory_space<vmem>>) semaphore(%arg20 : memref<!tpu.dma_semaphore, #tpu.memory_space<semaphore_mem>>)
    %scan3A_47 = arith.constant 0 : i32
    %scan3A_48 = arith.constant 0 : i32
    %scan3A_49 = arith.constant 79 : i32
    %scan3A_50 = arith.addi %scan3A_48, %scan3A_49 : i32
    %scan3A_51 = arith.constant 1 : i32
    %scan3A_52 = scf.for %scan3A_68 = %scan3A_48 to %scan3A_50 step %scan3A_51 iter_args(%scan3A_69 = %scan3A_47) -> (i32)  : i32 {
      %mul3A_70 = arith.constant 2 : i32
      %mul3A_71 = arith.muli %mul3A_70, %scan3A_68 : i32
      %add3A_72 = arith.constant 0 : i32
      %add3A_73 = arith.addi %mul3A_71, %add3A_72 : i32
      %ge3A = arith.constant 1 : i32
      %ge3A_74 = arith.cmpi sge, %add3A_73, %ge3A : i32
      %convert_element_type3A = arith.extui %ge3A_74 : i1 to i32
      %cond3A = arith.constant 0 : i32
      %cond3A_75 = arith.cmpi ne, %convert_element_type3A, %cond3A : i32
      scf.if %cond3A_75 {
        %dma_wait3A_195 = arith.constant 64 : i32
        %dma_wait3A_196 = arith.constant 0 : i32
        %dma_wait3A_197 = tpu.memref_slice %arg12[%dma_wait3A_195, %dma_wait3A_196] : memref<128x128xf32, #tpu.memory_space<vmem>> -> memref<64x128xf32, #tpu.memory_space<vmem>>
        %dma_wait3A_198 = arith.constant 0 : i32
        %dma_wait3A_199 = arith.constant 0 : i32
        %dma_wait3A_200 = tpu.memref_slice %arg13[%dma_wait3A_198, %dma_wait3A_199] : memref<10240x128xf32, #tpu.memory_space<vmem_shared>> -> memref<10240x128xf32, #tpu.memory_space<vmem_shared>>
        tpu.wait_indirect_dma semaphore(%arg23 : memref<!tpu.dma_semaphore, #tpu.memory_space<semaphore_mem>>) src(%dma_wait3A_197 : memref<64x128xf32, #tpu.memory_space<vmem>>) dst(%dma_wait3A_200 : memref<10240x128xf32, #tpu.memory_space<vmem_shared>>)
      } else {
      }
      %add3A_76 = arith.constant 1 : i32
      %add3A_77 = arith.addi %add3A_73, %add3A_76 : i32
      %lt3A = arith.constant 158 : i32
      %lt3A_78 = arith.cmpi slt, %add3A_77, %lt3A : i32
      %convert_element_type3A_79 = arith.extui %lt3A_78 : i1 to i32
      %cond3A_80 = arith.constant 0 : i32
      %cond3A_81 = arith.cmpi ne, %convert_element_type3A_79, %cond3A_80 : i32
      scf.if %cond3A_81 {
        %dma_wait3A_195 = tpu.memref_slice %arg4[%mul3A_16] : memref<323584xi32, #tpu.memory_space<hbm>> -> memref<64xi32, #tpu.memory_space<hbm>>
        %dma_wait3A_196 = tpu.memref_slice %arg4[%mul3A_16] : memref<323584xi32, #tpu.memory_space<hbm>> -> memref<64xi32, #tpu.memory_space<hbm>>
        tpu.wait_dma2 semaphore(%arg15 : memref<!tpu.dma_semaphore, #tpu.memory_space<semaphore_mem>>) src(%dma_wait3A_196 : memref<64xi32, #tpu.memory_space<hbm>>) dst(%arg8 : memref<64xi32, #tpu.memory_space<vmem>>)
        %add3A_197 = arith.constant 1 : i32
        %add3A_198 = arith.addi %add3A_73, %add3A_197 : i32
        %mul3A_199 = arith.constant 64 : i32
        %mul3A_200 = arith.muli %add3A_198, %mul3A_199 : i32
        %add3A_201 = arith.addi %mul3A_16, %mul3A_200 : i32
        %dma_start3A_202 = arith.constant 64 : i32
        %dma_start3A_203 = arith.constant 0 : i32
        %dma_start3A_204 = tpu.memref_slice %arg12[%dma_start3A_202, %dma_start3A_203] : memref<128x128xf32, #tpu.memory_space<vmem>> -> memref<64x128xf32, #tpu.memory_space<vmem>>
        %dma_start3A_205 = arith.constant 0 : i32
        %dma_start3A_206 = tpu.memref_slice %arg3[%add3A_201, %dma_start3A_205] : memref<323584x128xf32, #tpu.memory_space<hbm>> -> memref<64x128xf32, #tpu.memory_space<hbm>>
        %dma_start3A_207 = arith.constant 64 : i32
        %dma_start3A_208 = arith.constant 0 : i32
        %dma_start3A_209 = tpu.memref_slice %arg12[%dma_start3A_207, %dma_start3A_208] : memref<128x128xf32, #tpu.memory_space<vmem>> -> memref<64x128xf32, #tpu.memory_space<vmem>>
        %dma_start3A_210 = arith.constant 0 : i32
        %dma_start3A_211 = tpu.memref_slice %arg3[%add3A_201, %dma_start3A_210] : memref<323584x128xf32, #tpu.memory_space<hbm>> -> memref<64x128xf32, #tpu.memory_space<hbm>>
        tpu.enqueue_dma source(%dma_start3A_211 : memref<64x128xf32, #tpu.memory_space<hbm>>) target(%dma_start3A_209 : memref<64x128xf32, #tpu.memory_space<vmem>>) target_semaphore(%arg19 : memref<!tpu.dma_semaphore, #tpu.memory_space<semaphore_mem>>)
        %dma_start3A_212 = arith.constant 64 : i32
        %dma_start3A_213 = arith.constant 0 : i32
        %dma_start3A_214 = tpu.memref_slice %arg11[%dma_start3A_212, %dma_start3A_213] : memref<128x128xf32, #tpu.memory_space<vmem>> -> memref<64x128xf32, #tpu.memory_space<vmem>>
        %dma_start3A_215 = arith.constant 0 : i32
        %dma_start3A_216 = arith.constant 0 : i32
        %dma_start3A_217 = tpu.memref_slice %arg2[%dma_start3A_215, %dma_start3A_216] : memref<10000x128xf32, #tpu.memory_space<hbm>> -> memref<10000x128xf32, #tpu.memory_space<hbm>>
        tpu.enqueue_indirect_dma source(%dma_start3A_217 : memref<10000x128xf32, #tpu.memory_space<hbm>>) target(%dma_start3A_214 : memref<64x128xf32, #tpu.memory_space<vmem>>) offsets(%arg8 : memref<64xi32, #tpu.memory_space<vmem>>) semaphore(%arg21 : memref<!tpu.dma_semaphore, #tpu.memory_space<semaphore_mem>>)
      } else {
      }
      %mul3A_82 = arith.constant 64 : i32
      %mul3A_83 = arith.muli %add3A_73, %mul3A_82 : i32
      %add3A_84 = arith.addi %mul3A_16, %mul3A_83 : i32
      %dma_wait3A_85 = arith.constant 0 : i32
      %dma_wait3A_86 = arith.constant 0 : i32
      %dma_wait3A_87 = tpu.memref_slice %arg12[%dma_wait3A_85, %dma_wait3A_86] : memref<128x128xf32, #tpu.memory_space<vmem>> -> memref<64x128xf32, #tpu.memory_space<vmem>>
      %dma_wait3A_88 = arith.constant 0 : i32
      %dma_wait3A_89 = tpu.memref_slice %arg3[%add3A_84, %dma_wait3A_88] : memref<323584x128xf32, #tpu.memory_space<hbm>> -> memref<64x128xf32, #tpu.memory_space<hbm>>
      %dma_wait3A_90 = arith.constant 0 : i32
      %dma_wait3A_91 = arith.constant 0 : i32
      %dma_wait3A_92 = tpu.memref_slice %arg12[%dma_wait3A_90, %dma_wait3A_91] : memref<128x128xf32, #tpu.memory_space<vmem>> -> memref<64x128xf32, #tpu.memory_space<vmem>>
      %dma_wait3A_93 = arith.constant 0 : i32
      %dma_wait3A_94 = tpu.memref_slice %arg3[%add3A_84, %dma_wait3A_93] : memref<323584x128xf32, #tpu.memory_space<hbm>> -> memref<64x128xf32, #tpu.memory_space<hbm>>
      tpu.wait_dma2 semaphore(%arg18 : memref<!tpu.dma_semaphore, #tpu.memory_space<semaphore_mem>>) src(%dma_wait3A_94 : memref<64x128xf32, #tpu.memory_space<hbm>>) dst(%dma_wait3A_92 : memref<64x128xf32, #tpu.memory_space<vmem>>)
      %dma_wait3A_95 = arith.constant 0 : i32
      %dma_wait3A_96 = arith.constant 0 : i32
      %dma_wait3A_97 = tpu.memref_slice %arg11[%dma_wait3A_95, %dma_wait3A_96] : memref<128x128xf32, #tpu.memory_space<vmem>> -> memref<64x128xf32, #tpu.memory_space<vmem>>
      %dma_wait3A_98 = arith.constant 0 : i32
      %dma_wait3A_99 = arith.constant 0 : i32
      %dma_wait3A_100 = tpu.memref_slice %arg2[%dma_wait3A_98, %dma_wait3A_99] : memref<10000x128xf32, #tpu.memory_space<hbm>> -> memref<10000x128xf32, #tpu.memory_space<hbm>>
      tpu.wait_indirect_dma semaphore(%arg20 : memref<!tpu.dma_semaphore, #tpu.memory_space<semaphore_mem>>) src(%dma_wait3A_100 : memref<10000x128xf32, #tpu.memory_space<hbm>>) dst(%dma_wait3A_97 : memref<64x128xf32, #tpu.memory_space<vmem>>)
      %add3A_101 = arith.constant 2 : i32
      %add3A_102 = arith.addi %add3A_73, %add3A_101 : i32
      %lt3A_103 = arith.constant 158 : i32
      %lt3A_104 = arith.cmpi slt, %add3A_102, %lt3A_103 : i32
      %convert_element_type3A_105 = arith.extui %lt3A_104 : i1 to i32
      %cond3A_106 = arith.constant 0 : i32
      %cond3A_107 = arith.cmpi ne, %convert_element_type3A_105, %cond3A_106 : i32
      scf.if %cond3A_107 {
        %add3A_195 = arith.constant 2 : i32
        %add3A_196 = arith.addi %add3A_73, %add3A_195 : i32
        %mul3A_197 = arith.constant 64 : i32
        %mul3A_198 = arith.muli %add3A_196, %mul3A_197 : i32
        %add3A_199 = arith.addi %mul3A_16, %mul3A_198 : i32
        %dma_start3A_200 = tpu.memref_slice %arg4[%add3A_199] : memref<323584xi32, #tpu.memory_space<hbm>> -> memref<64xi32, #tpu.memory_space<hbm>>
        %dma_start3A_201 = tpu.memref_slice %arg4[%add3A_199] : memref<323584xi32, #tpu.memory_space<hbm>> -> memref<64xi32, #tpu.memory_space<hbm>>
        tpu.enqueue_dma source(%dma_start3A_201 : memref<64xi32, #tpu.memory_space<hbm>>) target(%arg7 : memref<64xi32, #tpu.memory_space<vmem>>) target_semaphore(%arg14 : memref<!tpu.dma_semaphore, #tpu.memory_space<semaphore_mem>>)
      } else {
      }
      %add3A_108 = arith.constant 1 : i32
      %add3A_109 = arith.addi %add3A_73, %add3A_108 : i32
      %lt3A_110 = arith.constant 158 : i32
      %lt3A_111 = arith.cmpi slt, %add3A_109, %lt3A_110 : i32
      %convert_element_type3A_112 = arith.extui %lt3A_111 : i1 to i32
      %cond3A_113 = arith.constant 0 : i32
      %cond3A_114 = arith.cmpi ne, %convert_element_type3A_112, %cond3A_113 : i32
      scf.if %cond3A_114 {
        %add3A_195 = arith.constant 1 : i32
        %add3A_196 = arith.addi %add3A_73, %add3A_195 : i32
        %mul3A_197 = arith.constant 64 : i32
        %mul3A_198 = arith.muli %add3A_196, %mul3A_197 : i32
        %add3A_199 = arith.addi %mul3A_16, %mul3A_198 : i32
        %dma_start3A_200 = tpu.memref_slice %arg5[%add3A_199] : memref<323584xi32, #tpu.memory_space<hbm>> -> memref<64xi32, #tpu.memory_space<hbm>>
        %dma_start3A_201 = tpu.memref_slice %arg5[%add3A_199] : memref<323584xi32, #tpu.memory_space<hbm>> -> memref<64xi32, #tpu.memory_space<hbm>>
        tpu.enqueue_dma source(%dma_start3A_201 : memref<64xi32, #tpu.memory_space<hbm>>) target(%arg10 : memref<64xi32, #tpu.memory_space<vmem>>) target_semaphore(%arg17 : memref<!tpu.dma_semaphore, #tpu.memory_space<semaphore_mem>>)
      } else {
      }
      %scan3A_115 = arith.constant 0 : i32
      %scan3A_116 = arith.constant 0 : i32
      %scan3A_117 = arith.constant 64 : i32
      %scan3A_118 = arith.addi %scan3A_116, %scan3A_117 : i32
      %scan3A_119 = arith.constant 1 : i32
      %scan3A_120 = scf.for %scan3A_195 = %scan3A_116 to %scan3A_118 step %scan3A_119 iter_args(%scan3A_196 = %scan3A_115) -> (i32)  : i32 {
        %add3A_197 = arith.constant 0 : i32
        %add3A_198 = arith.addi %add3A_197, %scan3A_195 : i32
        %get3A = arith.index_cast %add3A_198 : i32 to index
        %get3A_199 = arith.constant 0 : index
        %get3A_200 = tpu.vector_load %arg12[%get3A, %get3A_199] {strides = array<i32>} : memref<128x128xf32, #tpu.memory_space<vmem>>, vector<1x16xf32>,
        %get3A_201 = vector.shape_cast %get3A_200 : vector<1x16xf32> to vector<16xf32>
        %add3A_202 = arith.constant 0 : i32
        %add3A_203 = arith.addi %add3A_202, %scan3A_195 : i32
        %get3A_204 = arith.index_cast %add3A_203 : i32 to index
        %get3A_205 = arith.constant 0 : index
        %get3A_206 = tpu.vector_load %arg11[%get3A_204, %get3A_205] {strides = array<i32>} : memref<128x128xf32, #tpu.memory_space<vmem>>, vector<1x16xf32>,
        %get3A_207 = vector.shape_cast %get3A_206 : vector<1x16xf32> to vector<16xf32>
        %mul3A_208 = arith.mulf %get3A_201, %get3A_207 : vector<16xf32>
        %add3A_209 = arith.constant 0 : i32
        %add3A_210 = arith.addi %add3A_209, %scan3A_195 : i32
        %swap3A = arith.index_cast %add3A_210 : i32 to index
        %swap3A_211 = arith.constant 0 : index
        %swap3A_212 = tpu.vector_load %arg12[%swap3A, %swap3A_211] {strides = array<i32>} : memref<128x128xf32, #tpu.memory_space<vmem>>, vector<1x16xf32>,
        %swap3A_213 = vector.shape_cast %swap3A_212 : vector<1x16xf32> to vector<16xf32>
        %swap3A_214 = vector.shape_cast %mul3A_208 : vector<16xf32> to vector<1x16xf32>
        tpu.vector_store %arg12[%swap3A, %swap3A_211], %swap3A_214 {strides = array<i32>} : memref<128x128xf32, #tpu.memory_space<vmem>>, vector<1x16xf32>,
        %add3A_215 = arith.constant 0 : i32
        %add3A_216 = arith.addi %add3A_215, %scan3A_195 : i32
        %get3A_217 = arith.index_cast %add3A_216 : i32 to index
        %get3A_218 = arith.constant 16 : index
        %get3A_219 = tpu.vector_load %arg12[%get3A_217, %get3A_218] {strides = array<i32>} : memref<128x128xf32, #tpu.memory_space<vmem>>, vector<1x16xf32>,
        %get3A_220 = vector.shape_cast %get3A_219 : vector<1x16xf32> to vector<16xf32>
        %add3A_221 = arith.constant 0 : i32
        %add3A_222 = arith.addi %add3A_221, %scan3A_195 : i32
        %get3A_223 = arith.index_cast %add3A_222 : i32 to index
        %get3A_224 = arith.constant 16 : index
        %get3A_225 = tpu.vector_load %arg11[%get3A_223, %get3A_224] {strides = array<i32>} : memref<128x128xf32, #tpu.memory_space<vmem>>, vector<1x16xf32>,
        %get3A_226 = vector.shape_cast %get3A_225 : vector<1x16xf32> to vector<16xf32>
        %mul3A_227 = arith.mulf %get3A_220, %get3A_226 : vector<16xf32>
        %add3A_228 = arith.constant 0 : i32
        %add3A_229 = arith.addi %add3A_228, %scan3A_195 : i32
        %swap3A_230 = arith.index_cast %add3A_229 : i32 to index
        %swap3A_231 = arith.constant 16 : index
        %swap3A_232 = tpu.vector_load %arg12[%swap3A_230, %swap3A_231] {strides = array<i32>} : memref<128x128xf32, #tpu.memory_space<vmem>>, vector<1x16xf32>,
        %swap3A_233 = vector.shape_cast %swap3A_232 : vector<1x16xf32> to vector<16xf32>
        %swap3A_234 = vector.shape_cast %mul3A_227 : vector<16xf32> to vector<1x16xf32>
        tpu.vector_store %arg12[%swap3A_230, %swap3A_231], %swap3A_234 {strides = array<i32>} : memref<128x128xf32, #tpu.memory_space<vmem>>, vector<1x16xf32>,
        %add3A_235 = arith.constant 0 : i32
        %add3A_236 = arith.addi %add3A_235, %scan3A_195 : i32
        %get3A_237 = arith.index_cast %add3A_236 : i32 to index
        %get3A_238 = arith.constant 32 : index
        %get3A_239 = tpu.vector_load %arg12[%get3A_237, %get3A_238] {strides = array<i32>} : memref<128x128xf32, #tpu.memory_space<vmem>>, vector<1x16xf32>,
        %get3A_240 = vector.shape_cast %get3A_239 : vector<1x16xf32> to vector<16xf32>
        %add3A_241 = arith.constant 0 : i32
        %add3A_242 = arith.addi %add3A_241, %scan3A_195 : i32
        %get3A_243 = arith.index_cast %add3A_242 : i32 to index
        %get3A_244 = arith.constant 32 : index
        %get3A_245 = tpu.vector_load %arg11[%get3A_243, %get3A_244] {strides = array<i32>} : memref<128x128xf32, #tpu.memory_space<vmem>>, vector<1x16xf32>,
        %get3A_246 = vector.shape_cast %get3A_245 : vector<1x16xf32> to vector<16xf32>
        %mul3A_247 = arith.mulf %get3A_240, %get3A_246 : vector<16xf32>
        %add3A_248 = arith.constant 0 : i32
        %add3A_249 = arith.addi %add3A_248, %scan3A_195 : i32
        %swap3A_250 = arith.index_cast %add3A_249 : i32 to index
        %swap3A_251 = arith.constant 32 : index
        %swap3A_252 = tpu.vector_load %arg12[%swap3A_250, %swap3A_251] {strides = array<i32>} : memref<128x128xf32, #tpu.memory_space<vmem>>, vector<1x16xf32>,
        %swap3A_253 = vector.shape_cast %swap3A_252 : vector<1x16xf32> to vector<16xf32>
        %swap3A_254 = vector.shape_cast %mul3A_247 : vector<16xf32> to vector<1x16xf32>
        tpu.vector_store %arg12[%swap3A_250, %swap3A_251], %swap3A_254 {strides = array<i32>} : memref<128x128xf32, #tpu.memory_space<vmem>>, vector<1x16xf32>,
        %add3A_255 = arith.constant 0 : i32
        %add3A_256 = arith.addi %add3A_255, %scan3A_195 : i32
        %get3A_257 = arith.index_cast %add3A_256 : i32 to index
        %get3A_258 = arith.constant 48 : index
        %get3A_259 = tpu.vector_load %arg12[%get3A_257, %get3A_258] {strides = array<i32>} : memref<128x128xf32, #tpu.memory_space<vmem>>, vector<1x16xf32>,
        %get3A_260 = vector.shape_cast %get3A_259 : vector<1x16xf32> to vector<16xf32>
        %add3A_261 = arith.constant 0 : i32
        %add3A_262 = arith.addi %add3A_261, %scan3A_195 : i32
        %get3A_263 = arith.index_cast %add3A_262 : i32 to index
        %get3A_264 = arith.constant 48 : index
        %get3A_265 = tpu.vector_load %arg11[%get3A_263, %get3A_264] {strides = array<i32>} : memref<128x128xf32, #tpu.memory_space<vmem>>, vector<1x16xf32>,
        %get3A_266 = vector.shape_cast %get3A_265 : vector<1x16xf32> to vector<16xf32>
        %mul3A_267 = arith.mulf %get3A_260, %get3A_266 : vector<16xf32>
        %add3A_268 = arith.constant 0 : i32
        %add3A_269 = arith.addi %add3A_268, %scan3A_195 : i32
        %swap3A_270 = arith.index_cast %add3A_269 : i32 to index
        %swap3A_271 = arith.constant 48 : index
        %swap3A_272 = tpu.vector_load %arg12[%swap3A_270, %swap3A_271] {strides = array<i32>} : memref<128x128xf32, #tpu.memory_space<vmem>>, vector<1x16xf32>,
        %swap3A_273 = vector.shape_cast %swap3A_272 : vector<1x16xf32> to vector<16xf32>
        %swap3A_274 = vector.shape_cast %mul3A_267 : vector<16xf32> to vector<1x16xf32>
        tpu.vector_store %arg12[%swap3A_270, %swap3A_271], %swap3A_274 {strides = array<i32>} : memref<128x128xf32, #tpu.memory_space<vmem>>, vector<1x16xf32>,
        %add3A_275 = arith.constant 0 : i32
        %add3A_276 = arith.addi %add3A_275, %scan3A_195 : i32
        %get3A_277 = arith.index_cast %add3A_276 : i32 to index
        %get3A_278 = arith.constant 64 : index
        %get3A_279 = tpu.vector_load %arg12[%get3A_277, %get3A_278] {strides = array<i32>} : memref<128x128xf32, #tpu.memory_space<vmem>>, vector<1x16xf32>,
        %get3A_280 = vector.shape_cast %get3A_279 : vector<1x16xf32> to vector<16xf32>
        %add3A_281 = arith.constant 0 : i32
        %add3A_282 = arith.addi %add3A_281, %scan3A_195 : i32
        %get3A_283 = arith.index_cast %add3A_282 : i32 to index
        %get3A_284 = arith.constant 64 : index
        %get3A_285 = tpu.vector_load %arg11[%get3A_283, %get3A_284] {strides = array<i32>} : memref<128x128xf32, #tpu.memory_space<vmem>>, vector<1x16xf32>,
        %get3A_286 = vector.shape_cast %get3A_285 : vector<1x16xf32> to vector<16xf32>
        %mul3A_287 = arith.mulf %get3A_280, %get3A_286 : vector<16xf32>
        %add3A_288 = arith.constant 0 : i32
        %add3A_289 = arith.addi %add3A_288, %scan3A_195 : i32
        %swap3A_290 = arith.index_cast %add3A_289 : i32 to index
        %swap3A_291 = arith.constant 64 : index
        %swap3A_292 = tpu.vector_load %arg12[%swap3A_290, %swap3A_291] {strides = array<i32>} : memref<128x128xf32, #tpu.memory_space<vmem>>, vector<1x16xf32>,
        %swap3A_293 = vector.shape_cast %swap3A_292 : vector<1x16xf32> to vector<16xf32>
        %swap3A_294 = vector.shape_cast %mul3A_287 : vector<16xf32> to vector<1x16xf32>
        tpu.vector_store %arg12[%swap3A_290, %swap3A_291], %swap3A_294 {strides = array<i32>} : memref<128x128xf32, #tpu.memory_space<vmem>>, vector<1x16xf32>,
        %add3A_295 = arith.constant 0 : i32
        %add3A_296 = arith.addi %add3A_295, %scan3A_195 : i32
        %get3A_297 = arith.index_cast %add3A_296 : i32 to index
        %get3A_298 = arith.constant 80 : index
        %get3A_299 = tpu.vector_load %arg12[%get3A_297, %get3A_298] {strides = array<i32>} : memref<128x128xf32, #tpu.memory_space<vmem>>, vector<1x16xf32>,
        %get3A_300 = vector.shape_cast %get3A_299 : vector<1x16xf32> to vector<16xf32>
        %add3A_301 = arith.constant 0 : i32
        %add3A_302 = arith.addi %add3A_301, %scan3A_195 : i32
        %get3A_303 = arith.index_cast %add3A_302 : i32 to index
        %get3A_304 = arith.constant 80 : index
        %get3A_305 = tpu.vector_load %arg11[%get3A_303, %get3A_304] {strides = array<i32>} : memref<128x128xf32, #tpu.memory_space<vmem>>, vector<1x16xf32>,
        %get3A_306 = vector.shape_cast %get3A_305 : vector<1x16xf32> to vector<16xf32>
        %mul3A_307 = arith.mulf %get3A_300, %get3A_306 : vector<16xf32>
        %add3A_308 = arith.constant 0 : i32
        %add3A_309 = arith.addi %add3A_308, %scan3A_195 : i32
        %swap3A_310 = arith.index_cast %add3A_309 : i32 to index
        %swap3A_311 = arith.constant 80 : index
        %swap3A_312 = tpu.vector_load %arg12[%swap3A_310, %swap3A_311] {strides = array<i32>} : memref<128x128xf32, #tpu.memory_space<vmem>>, vector<1x16xf32>,
        %swap3A_313 = vector.shape_cast %swap3A_312 : vector<1x16xf32> to vector<16xf32>
        %swap3A_314 = vector.shape_cast %mul3A_307 : vector<16xf32> to vector<1x16xf32>
        tpu.vector_store %arg12[%swap3A_310, %swap3A_311], %swap3A_314 {strides = array<i32>} : memref<128x128xf32, #tpu.memory_space<vmem>>, vector<1x16xf32>,
        %add3A_315 = arith.constant 0 : i32
        %add3A_316 = arith.addi %add3A_315, %scan3A_195 : i32
        %get3A_317 = arith.index_cast %add3A_316 : i32 to index
        %get3A_318 = arith.constant 96 : index
        %get3A_319 = tpu.vector_load %arg12[%get3A_317, %get3A_318] {strides = array<i32>} : memref<128x128xf32, #tpu.memory_space<vmem>>, vector<1x16xf32>,
        %get3A_320 = vector.shape_cast %get3A_319 : vector<1x16xf32> to vector<16xf32>
        %add3A_321 = arith.constant 0 : i32
        %add3A_322 = arith.addi %add3A_321, %scan3A_195 : i32
        %get3A_323 = arith.index_cast %add3A_322 : i32 to index
        %get3A_324 = arith.constant 96 : index
        %get3A_325 = tpu.vector_load %arg11[%get3A_323, %get3A_324] {strides = array<i32>} : memref<128x128xf32, #tpu.memory_space<vmem>>, vector<1x16xf32>,
        %get3A_326 = vector.shape_cast %get3A_325 : vector<1x16xf32> to vector<16xf32>
        %mul3A_327 = arith.mulf %get3A_320, %get3A_326 : vector<16xf32>
        %add3A_328 = arith.constant 0 : i32
        %add3A_329 = arith.addi %add3A_328, %scan3A_195 : i32
        %swap3A_330 = arith.index_cast %add3A_329 : i32 to index
        %swap3A_331 = arith.constant 96 : index
        %swap3A_332 = tpu.vector_load %arg12[%swap3A_330, %swap3A_331] {strides = array<i32>} : memref<128x128xf32, #tpu.memory_space<vmem>>, vector<1x16xf32>,
        %swap3A_333 = vector.shape_cast %swap3A_332 : vector<1x16xf32> to vector<16xf32>
        %swap3A_334 = vector.shape_cast %mul3A_327 : vector<16xf32> to vector<1x16xf32>
        tpu.vector_store %arg12[%swap3A_330, %swap3A_331], %swap3A_334 {strides = array<i32>} : memref<128x128xf32, #tpu.memory_space<vmem>>, vector<1x16xf32>,
        %add3A_335 = arith.constant 0 : i32
        %add3A_336 = arith.addi %add3A_335, %scan3A_195 : i32
        %get3A_337 = arith.index_cast %add3A_336 : i32 to index
        %get3A_338 = arith.constant 112 : index
        %get3A_339 = tpu.vector_load %arg12[%get3A_337, %get3A_338] {strides = array<i32>} : memref<128x128xf32, #tpu.memory_space<vmem>>, vector<1x16xf32>,
        %get3A_340 = vector.shape_cast %get3A_339 : vector<1x16xf32> to vector<16xf32>
        %add3A_341 = arith.constant 0 : i32
        %add3A_342 = arith.addi %add3A_341, %scan3A_195 : i32
        %get3A_343 = arith.index_cast %add3A_342 : i32 to index
        %get3A_344 = arith.constant 112 : index
        %get3A_345 = tpu.vector_load %arg11[%get3A_343, %get3A_344] {strides = array<i32>} : memref<128x128xf32, #tpu.memory_space<vmem>>, vector<1x16xf32>,
        %get3A_346 = vector.shape_cast %get3A_345 : vector<1x16xf32> to vector<16xf32>
        %mul3A_347 = arith.mulf %get3A_340, %get3A_346 : vector<16xf32>
        %add3A_348 = arith.constant 0 : i32
        %add3A_349 = arith.addi %add3A_348, %scan3A_195 : i32
        %swap3A_350 = arith.index_cast %add3A_349 : i32 to index
        %swap3A_351 = arith.constant 112 : index
        %swap3A_352 = tpu.vector_load %arg12[%swap3A_350, %swap3A_351] {strides = array<i32>} : memref<128x128xf32, #tpu.memory_space<vmem>>, vector<1x16xf32>,
        %swap3A_353 = vector.shape_cast %swap3A_352 : vector<1x16xf32> to vector<16xf32>
        %swap3A_354 = vector.shape_cast %mul3A_347 : vector<16xf32> to vector<1x16xf32>
        tpu.vector_store %arg12[%swap3A_350, %swap3A_351], %swap3A_354 {strides = array<i32>} : memref<128x128xf32, #tpu.memory_space<vmem>>, vector<1x16xf32>,
        %scan3A_355 = arith.constant 0 : i32
        scf.yield %scan3A_355 : i32
      }
      %scan3A_121 = arith.constant 64 : i32
      %dma_wait3A_122 = tpu.memref_slice %arg4[%mul3A_16] : memref<323584xi32, #tpu.memory_space<hbm>> -> memref<64xi32, #tpu.memory_space<hbm>>
      %dma_wait3A_123 = tpu.memref_slice %arg4[%mul3A_16] : memref<323584xi32, #tpu.memory_space<hbm>> -> memref<64xi32, #tpu.memory_space<hbm>>
      tpu.wait_dma2 semaphore(%arg16 : memref<!tpu.dma_semaphore, #tpu.memory_space<semaphore_mem>>) src(%dma_wait3A_123 : memref<64xi32, #tpu.memory_space<hbm>>) dst(%arg9 : memref<64xi32, #tpu.memory_space<vmem>>)
      %dma_start3A_124 = arith.constant 0 : i32
      %dma_start3A_125 = arith.constant 0 : i32
      %dma_start3A_126 = tpu.memref_slice %arg12[%dma_start3A_124, %dma_start3A_125] : memref<128x128xf32, #tpu.memory_space<vmem>> -> memref<64x128xf32, #tpu.memory_space<vmem>>
      %dma_start3A_127 = arith.constant 0 : i32
      %dma_start3A_128 = arith.constant 0 : i32
      %dma_start3A_129 = tpu.memref_slice %arg13[%dma_start3A_127, %dma_start3A_128] : memref<10240x128xf32, #tpu.memory_space<vmem_shared>> -> memref<10240x128xf32, #tpu.memory_space<vmem_shared>>
      tpu.enqueue_indirect_dma source(%dma_start3A_126 : memref<64x128xf32, #tpu.memory_space<vmem>>) target(%dma_start3A_129 : memref<10240x128xf32, #tpu.memory_space<vmem_shared>>) offsets(%arg9 : memref<64xi32, #tpu.memory_space<vmem>>) semaphore(%arg22 : memref<!tpu.dma_semaphore, #tpu.memory_space<semaphore_mem>>) {add = true}
      %mul3A_130 = arith.constant 2 : i32
      %mul3A_131 = arith.muli %mul3A_130, %scan3A_68 : i32
      %add3A_132 = arith.constant 1 : i32
      %add3A_133 = arith.addi %mul3A_131, %add3A_132 : i32
      %ge3A_134 = arith.constant 1 : i32
      %ge3A_135 = arith.cmpi sge, %add3A_133, %ge3A_134 : i32
      %convert_element_type3A_136 = arith.extui %ge3A_135 : i1 to i32
      %cond3A_137 = arith.constant 0 : i32
      %cond3A_138 = arith.cmpi ne, %convert_element_type3A_136, %cond3A_137 : i32
      scf.if %cond3A_138 {
        %dma_wait3A_195 = arith.constant 0 : i32
        %dma_wait3A_196 = arith.constant 0 : i32
        %dma_wait3A_197 = tpu.memref_slice %arg12[%dma_wait3A_195, %dma_wait3A_196] : memref<128x128xf32, #tpu.memory_space<vmem>> -> memref<64x128xf32, #tpu.memory_space<vmem>>
        %dma_wait3A_198 = arith.constant 0 : i32
        %dma_wait3A_199 = arith.constant 0 : i32
        %dma_wait3A_200 = tpu.memref_slice %arg13[%dma_wait3A_198, %dma_wait3A_199] : memref<10240x128xf32, #tpu.memory_space<vmem_shared>> -> memref<10240x128xf32, #tpu.memory_space<vmem_shared>>
        tpu.wait_indirect_dma semaphore(%arg22 : memref<!tpu.dma_semaphore, #tpu.memory_space<semaphore_mem>>) src(%dma_wait3A_197 : memref<64x128xf32, #tpu.memory_space<vmem>>) dst(%dma_wait3A_200 : memref<10240x128xf32, #tpu.memory_space<vmem_shared>>)
      } else {
      }
      %add3A_139 = arith.constant 1 : i32
      %add3A_140 = arith.addi %add3A_133, %add3A_139 : i32
      %lt3A_141 = arith.constant 158 : i32
      %lt3A_142 = arith.cmpi slt, %add3A_140, %lt3A_141 : i32
      %convert_element_type3A_143 = arith.extui %lt3A_142 : i1 to i32
      %cond3A_144 = arith.constant 0 : i32
      %cond3A_145 = arith.cmpi ne, %convert_element_type3A_143, %cond3A_144 : i32
      scf.if %cond3A_145 {
        %dma_wait3A_195 = tpu.memref_slice %arg4[%mul3A_16] : memref<323584xi32, #tpu.memory_space<hbm>> -> memref<64xi32, #tpu.memory_space<hbm>>
        %dma_wait3A_196 = tpu.memref_slice %arg4[%mul3A_16] : memref<323584xi32, #tpu.memory_space<hbm>> -> memref<64xi32, #tpu.memory_space<hbm>>
        tpu.wait_dma2 semaphore(%arg14 : memref<!tpu.dma_semaphore, #tpu.memory_space<semaphore_mem>>) src(%dma_wait3A_196 : memref<64xi32, #tpu.memory_space<hbm>>) dst(%arg7 : memref<64xi32, #tpu.memory_space<vmem>>)
        %add3A_197 = arith.constant 1 : i32
        %add3A_198 = arith.addi %add3A_133, %add3A_197 : i32
        %mul3A_199 = arith.constant 64 : i32
        %mul3A_200 = arith.muli %add3A_198, %mul3A_199 : i32
        %add3A_201 = arith.addi %mul3A_16, %mul3A_200 : i32
        %dma_start3A_202 = arith.constant 0 : i32
        %dma_start3A_203 = arith.constant 0 : i32
        %dma_start3A_204 = tpu.memref_slice %arg12[%dma_start3A_202, %dma_start3A_203] : memref<128x128xf32, #tpu.memory_space<vmem>> -> memref<64x128xf32, #tpu.memory_space<vmem>>
        %dma_start3A_205 = arith.constant 0 : i32
        %dma_start3A_206 = tpu.memref_slice %arg3[%add3A_201, %dma_start3A_205] : memref<323584x128xf32, #tpu.memory_space<hbm>> -> memref<64x128xf32, #tpu.memory_space<hbm>>
        %dma_start3A_207 = arith.constant 0 : i32
        %dma_start3A_208 = arith.constant 0 : i32
        %dma_start3A_209 = tpu.memref_slice %arg12[%dma_start3A_207, %dma_start3A_208] : memref<128x128xf32, #tpu.memory_space<vmem>> -> memref<64x128xf32, #tpu.memory_space<vmem>>
        %dma_start3A_210 = arith.constant 0 : i32
        %dma_start3A_211 = tpu.memref_slice %arg3[%add3A_201, %dma_start3A_210] : memref<323584x128xf32, #tpu.memory_space<hbm>> -> memref<64x128xf32, #tpu.memory_space<hbm>>
        tpu.enqueue_dma source(%dma_start3A_211 : memref<64x128xf32, #tpu.memory_space<hbm>>) target(%dma_start3A_209 : memref<64x128xf32, #tpu.memory_space<vmem>>) target_semaphore(%arg18 : memref<!tpu.dma_semaphore, #tpu.memory_space<semaphore_mem>>)
        %dma_start3A_212 = arith.constant 0 : i32
        %dma_start3A_213 = arith.constant 0 : i32
        %dma_start3A_214 = tpu.memref_slice %arg11[%dma_start3A_212, %dma_start3A_213] : memref<128x128xf32, #tpu.memory_space<vmem>> -> memref<64x128xf32, #tpu.memory_space<vmem>>
        %dma_start3A_215 = arith.constant 0 : i32
        %dma_start3A_216 = arith.constant 0 : i32
        %dma_start3A_217 = tpu.memref_slice %arg2[%dma_start3A_215, %dma_start3A_216] : memref<10000x128xf32, #tpu.memory_space<hbm>> -> memref<10000x128xf32, #tpu.memory_space<hbm>>
        tpu.enqueue_indirect_dma source(%dma_start3A_217 : memref<10000x128xf32, #tpu.memory_space<hbm>>) target(%dma_start3A_214 : memref<64x128xf32, #tpu.memory_space<vmem>>) offsets(%arg7 : memref<64xi32, #tpu.memory_space<vmem>>) semaphore(%arg20 : memref<!tpu.dma_semaphore, #tpu.memory_space<semaphore_mem>>)
      } else {
      }
      %mul3A_146 = arith.constant 64 : i32
      %mul3A_147 = arith.muli %add3A_133, %mul3A_146 : i32
      %add3A_148 = arith.addi %mul3A_16, %mul3A_147 : i32
      %dma_wait3A_149 = arith.constant 64 : i32
      %dma_wait3A_150 = arith.constant 0 : i32
      %dma_wait3A_151 = tpu.memref_slice %arg12[%dma_wait3A_149, %dma_wait3A_150] : memref<128x128xf32, #tpu.memory_space<vmem>> -> memref<64x128xf32, #tpu.memory_space<vmem>>
      %dma_wait3A_152 = arith.constant 0 : i32
      %dma_wait3A_153 = tpu.memref_slice %arg3[%add3A_148, %dma_wait3A_152] : memref<323584x128xf32, #tpu.memory_space<hbm>> -> memref<64x128xf32, #tpu.memory_space<hbm>>
      %dma_wait3A_154 = arith.constant 64 : i32
      %dma_wait3A_155 = arith.constant 0 : i32
      %dma_wait3A_156 = tpu.memref_slice %arg12[%dma_wait3A_154, %dma_wait3A_155] : memref<128x128xf32, #tpu.memory_space<vmem>> -> memref<64x128xf32, #tpu.memory_space<vmem>>
      %dma_wait3A_157 = arith.constant 0 : i32
      %dma_wait3A_158 = tpu.memref_slice %arg3[%add3A_148, %dma_wait3A_157] : memref<323584x128xf32, #tpu.memory_space<hbm>> -> memref<64x128xf32, #tpu.memory_space<hbm>>
      tpu.wait_dma2 semaphore(%arg19 : memref<!tpu.dma_semaphore, #tpu.memory_space<semaphore_mem>>) src(%dma_wait3A_158 : memref<64x128xf32, #tpu.memory_space<hbm>>) dst(%dma_wait3A_156 : memref<64x128xf32, #tpu.memory_space<vmem>>)
      %dma_wait3A_159 = arith.constant 64 : i32
      %dma_wait3A_160 = arith.constant 0 : i32
      %dma_wait3A_161 = tpu.memref_slice %arg11[%dma_wait3A_159, %dma_wait3A_160] : memref<128x128xf32, #tpu.memory_space<vmem>> -> memref<64x128xf32, #tpu.memory_space<vmem>>
      %dma_wait3A_162 = arith.constant 0 : i32
      %dma_wait3A_163 = arith.constant 0 : i32
      %dma_wait3A_164 = tpu.memref_slice %arg2[%dma_wait3A_162, %dma_wait3A_163] : memref<10000x128xf32, #tpu.memory_space<hbm>> -> memref<10000x128xf32, #tpu.memory_space<hbm>>
      tpu.wait_indirect_dma semaphore(%arg21 : memref<!tpu.dma_semaphore, #tpu.memory_space<semaphore_mem>>) src(%dma_wait3A_164 : memref<10000x128xf32, #tpu.memory_space<hbm>>) dst(%dma_wait3A_161 : memref<64x128xf32, #tpu.memory_space<vmem>>)
      %add3A_165 = arith.constant 2 : i32
      %add3A_166 = arith.addi %add3A_133, %add3A_165 : i32
      %lt3A_167 = arith.constant 158 : i32
      %lt3A_168 = arith.cmpi slt, %add3A_166, %lt3A_167 : i32
      %convert_element_type3A_169 = arith.extui %lt3A_168 : i1 to i32
      %cond3A_170 = arith.constant 0 : i32
      %cond3A_171 = arith.cmpi ne, %convert_element_type3A_169, %cond3A_170 : i32
      scf.if %cond3A_171 {
        %add3A_195 = arith.constant 2 : i32
        %add3A_196 = arith.addi %add3A_133, %add3A_195 : i32
        %mul3A_197 = arith.constant 64 : i32
        %mul3A_198 = arith.muli %add3A_196, %mul3A_197 : i32
        %add3A_199 = arith.addi %mul3A_16, %mul3A_198 : i32
        %dma_start3A_200 = tpu.memref_slice %arg4[%add3A_199] : memref<323584xi32, #tpu.memory_space<hbm>> -> memref<64xi32, #tpu.memory_space<hbm>>
        %dma_start3A_201 = tpu.memref_slice %arg4[%add3A_199] : memref<323584xi32, #tpu.memory_space<hbm>> -> memref<64xi32, #tpu.memory_space<hbm>>
        tpu.enqueue_dma source(%dma_start3A_201 : memref<64xi32, #tpu.memory_space<hbm>>) target(%arg8 : memref<64xi32, #tpu.memory_space<vmem>>) target_semaphore(%arg15 : memref<!tpu.dma_semaphore, #tpu.memory_space<semaphore_mem>>)
      } else {
      }
      %add3A_172 = arith.constant 1 : i32
      %add3A_173 = arith.addi %add3A_133, %add3A_172 : i32
      %lt3A_174 = arith.constant 158 : i32
      %lt3A_175 = arith.cmpi slt, %add3A_173, %lt3A_174 : i32
      %convert_element_type3A_176 = arith.extui %lt3A_175 : i1 to i32
      %cond3A_177 = arith.constant 0 : i32
      %cond3A_178 = arith.cmpi ne, %convert_element_type3A_176, %cond3A_177 : i32
      scf.if %cond3A_178 {
        %add3A_195 = arith.constant 1 : i32
        %add3A_196 = arith.addi %add3A_133, %add3A_195 : i32
        %mul3A_197 = arith.constant 64 : i32
        %mul3A_198 = arith.muli %add3A_196, %mul3A_197 : i32
        %add3A_199 = arith.addi %mul3A_16, %mul3A_198 : i32
        %dma_start3A_200 = tpu.memref_slice %arg5[%add3A_199] : memref<323584xi32, #tpu.memory_space<hbm>> -> memref<64xi32, #tpu.memory_space<hbm>>
        %dma_start3A_201 = tpu.memref_slice %arg5[%add3A_199] : memref<323584xi32, #tpu.memory_space<hbm>> -> memref<64xi32, #tpu.memory_space<hbm>>
        tpu.enqueue_dma source(%dma_start3A_201 : memref<64xi32, #tpu.memory_space<hbm>>) target(%arg9 : memref<64xi32, #tpu.memory_space<vmem>>) target_semaphore(%arg16 : memref<!tpu.dma_semaphore, #tpu.memory_space<semaphore_mem>>)
      } else {
      }
      %scan3A_179 = arith.constant 0 : i32
      %scan3A_180 = arith.constant 0 : i32
      %scan3A_181 = arith.constant 64 : i32
      %scan3A_182 = arith.addi %scan3A_180, %scan3A_181 : i32
      %scan3A_183 = arith.constant 1 : i32
      %scan3A_184 = scf.for %scan3A_195 = %scan3A_180 to %scan3A_182 step %scan3A_183 iter_args(%scan3A_196 = %scan3A_179) -> (i32)  : i32 {
        %add3A_197 = arith.constant 64 : i32
        %add3A_198 = arith.addi %add3A_197, %scan3A_195 : i32
        %get3A = arith.index_cast %add3A_198 : i32 to index
        %get3A_199 = arith.constant 0 : index
        %get3A_200 = tpu.vector_load %arg12[%get3A, %get3A_199] {strides = array<i32>} : memref<128x128xf32, #tpu.memory_space<vmem>>, vector<1x16xf32>,
        %get3A_201 = vector.shape_cast %get3A_200 : vector<1x16xf32> to vector<16xf32>
        %add3A_202 = arith.constant 64 : i32
        %add3A_203 = arith.addi %add3A_202, %scan3A_195 : i32
        %get3A_204 = arith.index_cast %add3A_203 : i32 to index
        %get3A_205 = arith.constant 0 : index
        %get3A_206 = tpu.vector_load %arg11[%get3A_204, %get3A_205] {strides = array<i32>} : memref<128x128xf32, #tpu.memory_space<vmem>>, vector<1x16xf32>,
        %get3A_207 = vector.shape_cast %get3A_206 : vector<1x16xf32> to vector<16xf32>
        %mul3A_208 = arith.mulf %get3A_201, %get3A_207 : vector<16xf32>
        %add3A_209 = arith.constant 64 : i32
        %add3A_210 = arith.addi %add3A_209, %scan3A_195 : i32
        %swap3A = arith.index_cast %add3A_210 : i32 to index
        %swap3A_211 = arith.constant 0 : index
        %swap3A_212 = tpu.vector_load %arg12[%swap3A, %swap3A_211] {strides = array<i32>} : memref<128x128xf32, #tpu.memory_space<vmem>>, vector<1x16xf32>,
        %swap3A_213 = vector.shape_cast %swap3A_212 : vector<1x16xf32> to vector<16xf32>
        %swap3A_214 = vector.shape_cast %mul3A_208 : vector<16xf32> to vector<1x16xf32>
        tpu.vector_store %arg12[%swap3A, %swap3A_211], %swap3A_214 {strides = array<i32>} : memref<128x128xf32, #tpu.memory_space<vmem>>, vector<1x16xf32>,
        %add3A_215 = arith.constant 64 : i32
        %add3A_216 = arith.addi %add3A_215, %scan3A_195 : i32
        %get3A_217 = arith.index_cast %add3A_216 : i32 to index
        %get3A_218 = arith.constant 16 : index
        %get3A_219 = tpu.vector_load %arg12[%get3A_217, %get3A_218] {strides = array<i32>} : memref<128x128xf32, #tpu.memory_space<vmem>>, vector<1x16xf32>,
        %get3A_220 = vector.shape_cast %get3A_219 : vector<1x16xf32> to vector<16xf32>
        %add3A_221 = arith.constant 64 : i32
        %add3A_222 = arith.addi %add3A_221, %scan3A_195 : i32
        %get3A_223 = arith.index_cast %add3A_222 : i32 to index
        %get3A_224 = arith.constant 16 : index
        %get3A_225 = tpu.vector_load %arg11[%get3A_223, %get3A_224] {strides = array<i32>} : memref<128x128xf32, #tpu.memory_space<vmem>>, vector<1x16xf32>,
        %get3A_226 = vector.shape_cast %get3A_225 : vector<1x16xf32> to vector<16xf32>
        %mul3A_227 = arith.mulf %get3A_220, %get3A_226 : vector<16xf32>
        %add3A_228 = arith.constant 64 : i32
        %add3A_229 = arith.addi %add3A_228, %scan3A_195 : i32
        %swap3A_230 = arith.index_cast %add3A_229 : i32 to index
        %swap3A_231 = arith.constant 16 : index
        %swap3A_232 = tpu.vector_load %arg12[%swap3A_230, %swap3A_231] {strides = array<i32>} : memref<128x128xf32, #tpu.memory_space<vmem>>, vector<1x16xf32>,
        %swap3A_233 = vector.shape_cast %swap3A_232 : vector<1x16xf32> to vector<16xf32>
        %swap3A_234 = vector.shape_cast %mul3A_227 : vector<16xf32> to vector<1x16xf32>
        tpu.vector_store %arg12[%swap3A_230, %swap3A_231], %swap3A_234 {strides = array<i32>} : memref<128x128xf32, #tpu.memory_space<vmem>>, vector<1x16xf32>,
        %add3A_235 = arith.constant 64 : i32
        %add3A_236 = arith.addi %add3A_235, %scan3A_195 : i32
        %get3A_237 = arith.index_cast %add3A_236 : i32 to index
        %get3A_238 = arith.constant 32 : index
        %get3A_239 = tpu.vector_load %arg12[%get3A_237, %get3A_238] {strides = array<i32>} : memref<128x128xf32, #tpu.memory_space<vmem>>, vector<1x16xf32>,
        %get3A_240 = vector.shape_cast %get3A_239 : vector<1x16xf32> to vector<16xf32>
        %add3A_241 = arith.constant 64 : i32
        %add3A_242 = arith.addi %add3A_241, %scan3A_195 : i32
        %get3A_243 = arith.index_cast %add3A_242 : i32 to index
        %get3A_244 = arith.constant 32 : index
        %get3A_245 = tpu.vector_load %arg11[%get3A_243, %get3A_244] {strides = array<i32>} : memref<128x128xf32, #tpu.memory_space<vmem>>, vector<1x16xf32>,
        %get3A_246 = vector.shape_cast %get3A_245 : vector<1x16xf32> to vector<16xf32>
        %mul3A_247 = arith.mulf %get3A_240, %get3A_246 : vector<16xf32>
        %add3A_248 = arith.constant 64 : i32
        %add3A_249 = arith.addi %add3A_248, %scan3A_195 : i32
        %swap3A_250 = arith.index_cast %add3A_249 : i32 to index
        %swap3A_251 = arith.constant 32 : index
        %swap3A_252 = tpu.vector_load %arg12[%swap3A_250, %swap3A_251] {strides = array<i32>} : memref<128x128xf32, #tpu.memory_space<vmem>>, vector<1x16xf32>,
        %swap3A_253 = vector.shape_cast %swap3A_252 : vector<1x16xf32> to vector<16xf32>
        %swap3A_254 = vector.shape_cast %mul3A_247 : vector<16xf32> to vector<1x16xf32>
        tpu.vector_store %arg12[%swap3A_250, %swap3A_251], %swap3A_254 {strides = array<i32>} : memref<128x128xf32, #tpu.memory_space<vmem>>, vector<1x16xf32>,
        %add3A_255 = arith.constant 64 : i32
        %add3A_256 = arith.addi %add3A_255, %scan3A_195 : i32
        %get3A_257 = arith.index_cast %add3A_256 : i32 to index
        %get3A_258 = arith.constant 48 : index
        %get3A_259 = tpu.vector_load %arg12[%get3A_257, %get3A_258] {strides = array<i32>} : memref<128x128xf32, #tpu.memory_space<vmem>>, vector<1x16xf32>,
        %get3A_260 = vector.shape_cast %get3A_259 : vector<1x16xf32> to vector<16xf32>
        %add3A_261 = arith.constant 64 : i32
        %add3A_262 = arith.addi %add3A_261, %scan3A_195 : i32
        %get3A_263 = arith.index_cast %add3A_262 : i32 to index
        %get3A_264 = arith.constant 48 : index
        %get3A_265 = tpu.vector_load %arg11[%get3A_263, %get3A_264] {strides = array<i32>} : memref<128x128xf32, #tpu.memory_space<vmem>>, vector<1x16xf32>,
        %get3A_266 = vector.shape_cast %get3A_265 : vector<1x16xf32> to vector<16xf32>
        %mul3A_267 = arith.mulf %get3A_260, %get3A_266 : vector<16xf32>
        %add3A_268 = arith.constant 64 : i32
        %add3A_269 = arith.addi %add3A_268, %scan3A_195 : i32
        %swap3A_270 = arith.index_cast %add3A_269 : i32 to index
        %swap3A_271 = arith.constant 48 : index
        %swap3A_272 = tpu.vector_load %arg12[%swap3A_270, %swap3A_271] {strides = array<i32>} : memref<128x128xf32, #tpu.memory_space<vmem>>, vector<1x16xf32>,
        %swap3A_273 = vector.shape_cast %swap3A_272 : vector<1x16xf32> to vector<16xf32>
        %swap3A_274 = vector.shape_cast %mul3A_267 : vector<16xf32> to vector<1x16xf32>
        tpu.vector_store %arg12[%swap3A_270, %swap3A_271], %swap3A_274 {strides = array<i32>} : memref<128x128xf32, #tpu.memory_space<vmem>>, vector<1x16xf32>,
        %add3A_275 = arith.constant 64 : i32
        %add3A_276 = arith.addi %add3A_275, %scan3A_195 : i32
        %get3A_277 = arith.index_cast %add3A_276 : i32 to index
        %get3A_278 = arith.constant 64 : index
        %get3A_279 = tpu.vector_load %arg12[%get3A_277, %get3A_278] {strides = array<i32>} : memref<128x128xf32, #tpu.memory_space<vmem>>, vector<1x16xf32>,
        %get3A_280 = vector.shape_cast %get3A_279 : vector<1x16xf32> to vector<16xf32>
        %add3A_281 = arith.constant 64 : i32
        %add3A_282 = arith.addi %add3A_281, %scan3A_195 : i32
        %get3A_283 = arith.index_cast %add3A_282 : i32 to index
        %get3A_284 = arith.constant 64 : index
        %get3A_285 = tpu.vector_load %arg11[%get3A_283, %get3A_284] {strides = array<i32>} : memref<128x128xf32, #tpu.memory_space<vmem>>, vector<1x16xf32>,
        %get3A_286 = vector.shape_cast %get3A_285 : vector<1x16xf32> to vector<16xf32>
        %mul3A_287 = arith.mulf %get3A_280, %get3A_286 : vector<16xf32>
        %add3A_288 = arith.constant 64 : i32
        %add3A_289 = arith.addi %add3A_288, %scan3A_195 : i32
        %swap3A_290 = arith.index_cast %add3A_289 : i32 to index
        %swap3A_291 = arith.constant 64 : index
        %swap3A_292 = tpu.vector_load %arg12[%swap3A_290, %swap3A_291] {strides = array<i32>} : memref<128x128xf32, #tpu.memory_space<vmem>>, vector<1x16xf32>,
        %swap3A_293 = vector.shape_cast %swap3A_292 : vector<1x16xf32> to vector<16xf32>
        %swap3A_294 = vector.shape_cast %mul3A_287 : vector<16xf32> to vector<1x16xf32>
        tpu.vector_store %arg12[%swap3A_290, %swap3A_291], %swap3A_294 {strides = array<i32>} : memref<128x128xf32, #tpu.memory_space<vmem>>, vector<1x16xf32>,
        %add3A_295 = arith.constant 64 : i32
        %add3A_296 = arith.addi %add3A_295, %scan3A_195 : i32
        %get3A_297 = arith.index_cast %add3A_296 : i32 to index
        %get3A_298 = arith.constant 80 : index
        %get3A_299 = tpu.vector_load %arg12[%get3A_297, %get3A_298] {strides = array<i32>} : memref<128x128xf32, #tpu.memory_space<vmem>>, vector<1x16xf32>,
        %get3A_300 = vector.shape_cast %get3A_299 : vector<1x16xf32> to vector<16xf32>
        %add3A_301 = arith.constant 64 : i32
        %add3A_302 = arith.addi %add3A_301, %scan3A_195 : i32
        %get3A_303 = arith.index_cast %add3A_302 : i32 to index
        %get3A_304 = arith.constant 80 : index
        %get3A_305 = tpu.vector_load %arg11[%get3A_303, %get3A_304] {strides = array<i32>} : memref<128x128xf32, #tpu.memory_space<vmem>>, vector<1x16xf32>,
        %get3A_306 = vector.shape_cast %get3A_305 : vector<1x16xf32> to vector<16xf32>
        %mul3A_307 = arith.mulf %get3A_300, %get3A_306 : vector<16xf32>
        %add3A_308 = arith.constant 64 : i32
        %add3A_309 = arith.addi %add3A_308, %scan3A_195 : i32
        %swap3A_310 = arith.index_cast %add3A_309 : i32 to index
        %swap3A_311 = arith.constant 80 : index
        %swap3A_312 = tpu.vector_load %arg12[%swap3A_310, %swap3A_311] {strides = array<i32>} : memref<128x128xf32, #tpu.memory_space<vmem>>, vector<1x16xf32>,
        %swap3A_313 = vector.shape_cast %swap3A_312 : vector<1x16xf32> to vector<16xf32>
        %swap3A_314 = vector.shape_cast %mul3A_307 : vector<16xf32> to vector<1x16xf32>
        tpu.vector_store %arg12[%swap3A_310, %swap3A_311], %swap3A_314 {strides = array<i32>} : memref<128x128xf32, #tpu.memory_space<vmem>>, vector<1x16xf32>,
        %add3A_315 = arith.constant 64 : i32
        %add3A_316 = arith.addi %add3A_315, %scan3A_195 : i32
        %get3A_317 = arith.index_cast %add3A_316 : i32 to index
        %get3A_318 = arith.constant 96 : index
        %get3A_319 = tpu.vector_load %arg12[%get3A_317, %get3A_318] {strides = array<i32>} : memref<128x128xf32, #tpu.memory_space<vmem>>, vector<1x16xf32>,
        %get3A_320 = vector.shape_cast %get3A_319 : vector<1x16xf32> to vector<16xf32>
        %add3A_321 = arith.constant 64 : i32
        %add3A_322 = arith.addi %add3A_321, %scan3A_195 : i32
        %get3A_323 = arith.index_cast %add3A_322 : i32 to index
        %get3A_324 = arith.constant 96 : index
        %get3A_325 = tpu.vector_load %arg11[%get3A_323, %get3A_324] {strides = array<i32>} : memref<128x128xf32, #tpu.memory_space<vmem>>, vector<1x16xf32>,
        %get3A_326 = vector.shape_cast %get3A_325 : vector<1x16xf32> to vector<16xf32>
        %mul3A_327 = arith.mulf %get3A_320, %get3A_326 : vector<16xf32>
        %add3A_328 = arith.constant 64 : i32
        %add3A_329 = arith.addi %add3A_328, %scan3A_195 : i32
        %swap3A_330 = arith.index_cast %add3A_329 : i32 to index
        %swap3A_331 = arith.constant 96 : index
        %swap3A_332 = tpu.vector_load %arg12[%swap3A_330, %swap3A_331] {strides = array<i32>} : memref<128x128xf32, #tpu.memory_space<vmem>>, vector<1x16xf32>,
        %swap3A_333 = vector.shape_cast %swap3A_332 : vector<1x16xf32> to vector<16xf32>
        %swap3A_334 = vector.shape_cast %mul3A_327 : vector<16xf32> to vector<1x16xf32>
        tpu.vector_store %arg12[%swap3A_330, %swap3A_331], %swap3A_334 {strides = array<i32>} : memref<128x128xf32, #tpu.memory_space<vmem>>, vector<1x16xf32>,
        %add3A_335 = arith.constant 64 : i32
        %add3A_336 = arith.addi %add3A_335, %scan3A_195 : i32
        %get3A_337 = arith.index_cast %add3A_336 : i32 to index
        %get3A_338 = arith.constant 112 : index
        %get3A_339 = tpu.vector_load %arg12[%get3A_337, %get3A_338] {strides = array<i32>} : memref<128x128xf32, #tpu.memory_space<vmem>>, vector<1x16xf32>,
        %get3A_340 = vector.shape_cast %get3A_339 : vector<1x16xf32> to vector<16xf32>
        %add3A_341 = arith.constant 64 : i32
        %add3A_342 = arith.addi %add3A_341, %scan3A_195 : i32
        %get3A_343 = arith.index_cast %add3A_342 : i32 to index
        %get3A_344 = arith.constant 112 : index
        %get3A_345 = tpu.vector_load %arg11[%get3A_343, %get3A_344] {strides = array<i32>} : memref<128x128xf32, #tpu.memory_space<vmem>>, vector<1x16xf32>,
        %get3A_346 = vector.shape_cast %get3A_345 : vector<1x16xf32> to vector<16xf32>
        %mul3A_347 = arith.mulf %get3A_340, %get3A_346 : vector<16xf32>
        %add3A_348 = arith.constant 64 : i32
        %add3A_349 = arith.addi %add3A_348, %scan3A_195 : i32
        %swap3A_350 = arith.index_cast %add3A_349 : i32 to index
        %swap3A_351 = arith.constant 112 : index
        %swap3A_352 = tpu.vector_load %arg12[%swap3A_350, %swap3A_351] {strides = array<i32>} : memref<128x128xf32, #tpu.memory_space<vmem>>, vector<1x16xf32>,
        %swap3A_353 = vector.shape_cast %swap3A_352 : vector<1x16xf32> to vector<16xf32>
        %swap3A_354 = vector.shape_cast %mul3A_347 : vector<16xf32> to vector<1x16xf32>
        tpu.vector_store %arg12[%swap3A_350, %swap3A_351], %swap3A_354 {strides = array<i32>} : memref<128x128xf32, #tpu.memory_space<vmem>>, vector<1x16xf32>,
        %scan3A_355 = arith.constant 0 : i32
        scf.yield %scan3A_355 : i32
      }
      %scan3A_185 = arith.constant 64 : i32
      %dma_wait3A_186 = tpu.memref_slice %arg4[%mul3A_16] : memref<323584xi32, #tpu.memory_space<hbm>> -> memref<64xi32, #tpu.memory_space<hbm>>
      %dma_wait3A_187 = tpu.memref_slice %arg4[%mul3A_16] : memref<323584xi32, #tpu.memory_space<hbm>> -> memref<64xi32, #tpu.memory_space<hbm>>
      tpu.wait_dma2 semaphore(%arg17 : memref<!tpu.dma_semaphore, #tpu.memory_space<semaphore_mem>>) src(%dma_wait3A_187 : memref<64xi32, #tpu.memory_space<hbm>>) dst(%arg10 : memref<64xi32, #tpu.memory_space<vmem>>)
      %dma_start3A_188 = arith.constant 64 : i32
      %dma_start3A_189 = arith.constant 0 : i32
      %dma_start3A_190 = tpu.memref_slice %arg12[%dma_start3A_188, %dma_start3A_189] : memref<128x128xf32, #tpu.memory_space<vmem>> -> memref<64x128xf32, #tpu.memory_space<vmem>>
      %dma_start3A_191 = arith.constant 0 : i32
      %dma_start3A_192 = arith.constant 0 : i32
      %dma_start3A_193 = tpu.memref_slice %arg13[%dma_start3A_191, %dma_start3A_192] : memref<10240x128xf32, #tpu.memory_space<vmem_shared>> -> memref<10240x128xf32, #tpu.memory_space<vmem_shared>>
      tpu.enqueue_indirect_dma source(%dma_start3A_190 : memref<64x128xf32, #tpu.memory_space<vmem>>) target(%dma_start3A_193 : memref<10240x128xf32, #tpu.memory_space<vmem_shared>>) offsets(%arg10 : memref<64xi32, #tpu.memory_space<vmem>>) semaphore(%arg23 : memref<!tpu.dma_semaphore, #tpu.memory_space<semaphore_mem>>) {add = true}
      %scan3A_194 = arith.constant 0 : i32
      scf.yield %scan3A_194 : i32
    }
    %scan3A_53 = arith.constant 79 : i32
    %dma_wait3A_54 = arith.constant 64 : i32
    %dma_wait3A_55 = arith.constant 0 : i32
    %dma_wait3A_56 = tpu.memref_slice %arg12[%dma_wait3A_54, %dma_wait3A_55] : memref<128x128xf32, #tpu.memory_space<vmem>> -> memref<64x128xf32, #tpu.memory_space<vmem>>
    %dma_wait3A_57 = arith.constant 0 : i32
    %dma_wait3A_58 = arith.constant 0 : i32
    %dma_wait3A_59 = tpu.memref_slice %arg13[%dma_wait3A_57, %dma_wait3A_58] : memref<10240x128xf32, #tpu.memory_space<vmem_shared>> -> memref<10240x128xf32, #tpu.memory_space<vmem_shared>>
    tpu.wait_indirect_dma semaphore(%arg23 : memref<!tpu.dma_semaphore, #tpu.memory_space<semaphore_mem>>) src(%dma_wait3A_56 : memref<64x128xf32, #tpu.memory_space<vmem>>) dst(%dma_wait3A_59 : memref<10240x128xf32, #tpu.memory_space<vmem_shared>>)
    %barrier3A_60 = arith.constant 0 : index
    tpu.barrier barrier_id(%barrier3A_60)
    %scan3A_61 = arith.constant 0 : i32
    %scan3A_62 = arith.constant 0 : i32
    %scan3A_63 = arith.constant 2 : i32
    %scan3A_64 = arith.addi %scan3A_62, %scan3A_63 : i32
    %scan3A_65 = arith.constant 1 : i32
    %scan3A_66 = scf.for %scan3A_68 = %scan3A_62 to %scan3A_64 step %scan3A_65 iter_args(%scan3A_69 = %scan3A_61) -> (i32)  : i32 {
      %mul3A_70 = arith.constant 640 : i32
      %mul3A_71 = arith.muli %arg1, %mul3A_70 : i32
      %mul3A_72 = arith.constant 320 : i32
      %mul3A_73 = arith.muli %scan3A_68, %mul3A_72 : i32
      %add3A_74 = arith.addi %mul3A_71, %mul3A_73 : i32
      %mul3A_75 = arith.constant 10240 : i32
      %mul3A_76 = arith.muli %arg0, %mul3A_75 : i32
      %add3A_77 = arith.addi %mul3A_76, %add3A_74 : i32
      "tpu.region"() ({
        %run_scoped3A = tpu.sem_alloc : memref<!tpu.dma_semaphore, #tpu.memory_space<semaphore_mem>>
        %dma_start3A_79 = arith.constant 0 : i32
        %dma_start3A_80 = tpu.memref_slice %arg6[%add3A_77, %dma_start3A_79] : memref<20480x128xf32, #tpu.memory_space<hbm>> -> memref<320x128xf32, #tpu.memory_space<hbm>>
        %dma_start3A_81 = arith.constant 0 : i32
        %dma_start3A_82 = tpu.memref_slice %arg13[%add3A_74, %dma_start3A_81] : memref<10240x128xf32, #tpu.memory_space<vmem_shared>> -> memref<320x128xf32, #tpu.memory_space<vmem_shared>>
        tpu.enqueue_dma source(%dma_start3A_82 : memref<320x128xf32, #tpu.memory_space<vmem_shared>>) target(%dma_start3A_80 : memref<320x128xf32, #tpu.memory_space<hbm>>) target_semaphore(%run_scoped3A : memref<!tpu.dma_semaphore, #tpu.memory_space<semaphore_mem>>)
        %dma_wait3A_83 = arith.constant 0 : i32
        %dma_wait3A_84 = tpu.memref_slice %arg6[%add3A_77, %dma_wait3A_83] : memref<20480x128xf32, #tpu.memory_space<hbm>> -> memref<320x128xf32, #tpu.memory_space<hbm>>
        %dma_wait3A_85 = arith.constant 0 : i32
        %dma_wait3A_86 = tpu.memref_slice %arg13[%add3A_74, %dma_wait3A_85] : memref<10240x128xf32, #tpu.memory_space<vmem_shared>> -> memref<320x128xf32, #tpu.memory_space<vmem_shared>>
        tpu.wait_dma2 semaphore(%run_scoped3A : memref<!tpu.dma_semaphore, #tpu.memory_space<semaphore_mem>>) src(%dma_wait3A_86 : memref<320x128xf32, #tpu.memory_space<vmem_shared>>) dst(%dma_wait3A_84 : memref<320x128xf32, #tpu.memory_space<hbm>>)
        tpu.yield
      }) : () -> ()
      %scan3A_78 = arith.constant 0 : i32
      scf.yield %scan3A_78 : i32
    }
    %scan3A_67 = arith.constant 2 : i32
    return
  }
}

module attributes {stable_mosaic.version = 14 : i64} {
  func.func @_matmul_h_body(%arg0: memref<10000x128xf32, #tpu.memory_space<vmem>>, %arg1: memref<128x128xf32, #tpu.memory_space<vmem>>, %arg2: memref<10000x128xf32, #tpu.memory_space<vmem>>) attributes {dimension_semantics = [], scalar_prefetch = 0 : i64, scratch_operands = 0 : i64, tpu.core_type = #tpu.core_type<tc>} {
    %get3A = arith.constant 0 : index
    %get3A_0 = arith.constant 0 : index
    %get3A_1 = vector.load %arg0[%get3A, %get3A_0] : memref<10000x128xf32, #tpu.memory_space<vmem>>, vector<10000x128xf32>
    %get3A_2 = arith.constant 0 : index
    %get3A_3 = arith.constant 0 : index
    %get3A_4 = vector.load %arg1[%get3A_2, %get3A_3] : memref<128x128xf32, #tpu.memory_space<vmem>>, vector<128x128xf32>
    %dot_general3A = arith.constant dense<0.000000e+00> : vector<10000x128xf32>
    %dot_general3A_5 = tpu.matmul %get3A_1, %get3A_4, %dot_general3A {dimension_numbers = #tpu.dot_dimension_numbers<[1], [0], [0], [1], [0, 0, 1, 1], [], []>, transpose_lhs_hint = false} : vector<10000x128xf32>, vector<128x128xf32>, vector<10000x128xf32> -> vector<10000x128xf32>
    %swap3A = arith.constant 0 : index
    %swap3A_6 = arith.constant 0 : index
    %swap3A_7 = vector.load %arg2[%swap3A, %swap3A_6] : memref<10000x128xf32, #tpu.memory_space<vmem>>, vector<10000x128xf32>
    tpu.vector_store %arg2[%swap3A, %swap3A_6], %dot_general3A_5 {strides = array<i32>} : memref<10000x128xf32, #tpu.memory_space<vmem>>, vector<10000x128xf32>,
    return
  }
}

module attributes {stable_mosaic.version = 14 : i64} {
  func.func @_gate_body(%arg0: i32, %arg1: memref<4096x20xf32, #tpu.memory_space<vmem>>, %arg2: memref<20x128xf32, #tpu.memory_space<vmem>>, %arg3: memref<4096x128xf32, #tpu.memory_space<vmem>>) attributes {dimension_semantics = [#tpu.dimension_semantics<arbitrary>], iteration_bounds = array<i64: 79>, scalar_prefetch = 0 : i64, scratch_operands = 0 : i64, tpu.core_type = #tpu.core_type<tc>, window_params = [{transform_indices = @transform_0, window_bounds = array<i64: 4096, 20>}, {pipeline_mode = #tpu.pipeline_mode<synchronous>, transform_indices = @transform_1, window_bounds = array<i64: 20, 128>}, {transform_indices = @transform_2, window_bounds = array<i64: 4096, 128>}]} {
    %get3A = arith.constant 0 : index
    %get3A_0 = arith.constant 0 : index
    %get3A_1 = vector.load %arg1[%get3A, %get3A_0] : memref<4096x20xf32, #tpu.memory_space<vmem>>, vector<4096x20xf32>
    %get3A_2 = arith.constant 0 : index
    %get3A_3 = arith.constant 0 : index
    %get3A_4 = vector.load %arg2[%get3A_2, %get3A_3] : memref<20x128xf32, #tpu.memory_space<vmem>>, vector<20x128xf32>
    %dot_general3A = arith.constant dense<0.000000e+00> : vector<4096x128xf32>
    %dot_general3A_5 = tpu.matmul %get3A_1, %get3A_4, %dot_general3A {dimension_numbers = #tpu.dot_dimension_numbers<[1], [0], [0], [1], [0, 0, 1, 1], [], []>, transpose_lhs_hint = false} : vector<4096x20xf32>, vector<20x128xf32>, vector<4096x128xf32> -> vector<4096x128xf32>
    %max3A = arith.constant 0.000000e+00 : f32
    %max3A_6 = vector.broadcast %max3A : f32 to vector<4096x128xf32>
    %max3A_7 = arith.maximumf %dot_general3A_5, %max3A_6 : vector<4096x128xf32>
    %swap3A = arith.constant 0 : index
    %swap3A_8 = arith.constant 0 : index
    %swap3A_9 = vector.load %arg3[%swap3A, %swap3A_8] : memref<4096x128xf32, #tpu.memory_space<vmem>>, vector<4096x128xf32>
    tpu.vector_store %arg3[%swap3A, %swap3A_8], %max3A_7 {strides = array<i32>} : memref<4096x128xf32, #tpu.memory_space<vmem>>, vector<4096x128xf32>,
    return
  }
  func.func @transform_0(%arg0: i32) -> (i32, i32) {
    %c0_i32 = arith.constant 0 : i32
    %c0_i32_0 = arith.constant 0 : i32
    return %arg0, %c0_i32 : i32, i32
  }
  func.func @transform_1(%arg0: i32) -> (i32, i32) {
    %c0_i32 = arith.constant 0 : i32
    %c0_i32_0 = arith.constant 0 : i32
    %c0_i32_1 = arith.constant 0 : i32
    return %c0_i32, %c0_i32_0 : i32, i32
  }
  func.func @transform_2(%arg0: i32) -> (i32, i32) {
    %c0_i32 = arith.constant 0 : i32
    %c0_i32_0 = arith.constant 0 : i32
    return %arg0, %c0_i32 : i32, i32
  }
}

module attributes {stable_mosaic.version = 14 : i64} {
  func.func @_final_body(%arg0: memref<10000x128xf32, #tpu.memory_space<vmem>>, %arg1: memref<10000x128xf32, #tpu.memory_space<vmem>>, %arg2: memref<10000x128xf32, #tpu.memory_space<vmem>>, %arg3: memref<10000x1xi32, #tpu.memory_space<vmem>>, %arg4: memref<128x1xf32, #tpu.memory_space<vmem>>, %arg5: memref<16x1xf32, #tpu.memory_space<vmem>>) attributes {dimension_semantics = [], scalar_prefetch = 0 : i64, scratch_operands = 0 : i64, tpu.core_type = #tpu.core_type<tc>} {
    %get3A = arith.constant 0 : index
    %get3A_0 = arith.constant 0 : index
    %get3A_1 = vector.load %arg0[%get3A, %get3A_0] : memref<10000x128xf32, #tpu.memory_space<vmem>>, vector<10000x128xf32>
    %get3A_2 = arith.constant 0 : index
    %get3A_3 = arith.constant 0 : index
    %get3A_4 = vector.load %arg1[%get3A_2, %get3A_3] : memref<10000x128xf32, #tpu.memory_space<vmem>>, vector<10000x128xf32>
    %add3A = arith.addf %get3A_1, %get3A_4 : vector<10000x128xf32>
    %get3A_5 = arith.constant 0 : index
    %get3A_6 = arith.constant 0 : index
    %get3A_7 = vector.load %arg2[%get3A_5, %get3A_6] : memref<10000x128xf32, #tpu.memory_space<vmem>>, vector<10000x128xf32>
    %add3A_8 = arith.addf %add3A, %get3A_7 : vector<10000x128xf32>
    %max3A = arith.constant 0.000000e+00 : f32
    %max3A_9 = vector.broadcast %max3A : f32 to vector<10000x128xf32>
    %max3A_10 = arith.maximumf %add3A_8, %max3A_9 : vector<10000x128xf32>
    %get3A_11 = arith.constant 0 : index
    %get3A_12 = arith.constant 0 : index
    %get3A_13 = vector.load %arg3[%get3A_11, %get3A_12] : memref<10000x1xi32, #tpu.memory_space<vmem>>, vector<10000x1xi32>
    %iota3A = tpu.iota {dimensions = array<i32: 1>} : vector<10000x16xi32>
    %eq3A = vector.broadcast %get3A_13 : vector<10000x1xi32> to vector<10000x16xi32>
    %eq3A_14 = arith.cmpi eq, %eq3A, %iota3A : vector<10000x16xi32>
    %convert_element_type3A = arith.extui %eq3A_14 : vector<10000x16xi1> to vector<10000x16xi32>
    %convert_element_type3A_15 = arith.sitofp %convert_element_type3A : vector<10000x16xi32> to vector<10000x16xf32>
    %dot_general3A = arith.constant dense<0.000000e+00> : vector<16x128xf32>
    %dot_general3A_16 = tpu.matmul %convert_element_type3A_15, %max3A_10, %dot_general3A {dimension_numbers = #tpu.dot_dimension_numbers<[0], [0], [1], [1], [0, 1, 1, 1], [], []>, transpose_lhs_hint = false} : vector<10000x16xf32>, vector<10000x128xf32>, vector<16x128xf32> -> vector<16x128xf32>
    %broadcast_in_dim3A = arith.constant 1.000000e+00 : f32
    %broadcast_in_dim3A_17 = vector.broadcast %broadcast_in_dim3A : f32 to vector<10000x1xf32>
    %dot_general3A_18 = arith.constant dense<0.000000e+00> : vector<16x1xf32>
    %dot_general3A_19 = tpu.matmul %convert_element_type3A_15, %broadcast_in_dim3A_17, %dot_general3A_18 {dimension_numbers = #tpu.dot_dimension_numbers<[0], [0], [1], [1], [0, 1, 1, 1], [], []>, transpose_lhs_hint = false} : vector<10000x16xf32>, vector<10000x1xf32>, vector<16x1xf32> -> vector<16x1xf32>
    %max3A_20 = arith.constant 1.000000e+00 : f32
    %max3A_21 = vector.broadcast %max3A_20 : f32 to vector<16x1xf32>
    %max3A_22 = arith.maximumf %dot_general3A_19, %max3A_21 : vector<16x1xf32>
    %div3A = vector.broadcast %max3A_22 : vector<16x1xf32> to vector<16x128xf32>
    %div3A_23 = arith.divf %dot_general3A_16, %div3A : vector<16x128xf32>
    %get3A_24 = arith.constant 0 : index
    %get3A_25 = arith.constant 0 : index
    %get3A_26 = vector.load %arg4[%get3A_24, %get3A_25] : memref<128x1xf32, #tpu.memory_space<vmem>>, vector<128x1xf32>
    %dot_general3A_27 = arith.constant dense<0.000000e+00> : vector<16x1xf32>
    %dot_general3A_28 = tpu.matmul %div3A_23, %get3A_26, %dot_general3A_27 {dimension_numbers = #tpu.dot_dimension_numbers<[1], [0], [0], [1], [0, 0, 1, 1], [], []>, transpose_lhs_hint = false} : vector<16x128xf32>, vector<128x1xf32>, vector<16x1xf32> -> vector<16x1xf32>
    %swap3A = arith.constant 0 : index
    %swap3A_29 = arith.constant 0 : index
    %swap3A_30 = vector.load %arg5[%swap3A, %swap3A_29] : memref<16x1xf32, #tpu.memory_space<vmem>>, vector<16x1xf32>
    tpu.vector_store %arg5[%swap3A, %swap3A_29], %dot_general3A_28 {strides = array<i32>} : memref<16x1xf32, #tpu.memory_space<vmem>>, vector<16x1xf32>,
    return
  }
}

</mosaic_0001>

<sc_bundles>
// kernel: kernel.6.cloned.1.call-start
scs
__scs_entry_jumppad:
0x0: {  	(pc) =	sbr.rel $0x88, $3  }
0x1: {  	(tag) =	ssettag $0x0;
	lr =	simm.s32 $0x1  }
0x2: {  	[smem:$0x3F97] =	sst lr;
	_ =	strace $0xD0000000  }
0x3: {  	_ = 	snop  }
0x4: {  	_ = 	snop  }
0x5: {  	_ = 	snop  }
0x6: {  	_ = 	snop  }
0x7: {  	_ = 	snop  }
__scs_overlays_trampoline_lowered:
0x8: {  	[smem:$0x3FA6] =	sst s0  }
0x9: {  	[smem:$0x3FA7] =	sst s1  }
0xa: {  	[smem:$0x3FA8] =	sst s2  }
0xb: {  	[smem:$0x3FA9] =	sst s3  }
0xc: {  	[smem:$0x3FAA] =	sst s4  }
0xd: {  	[smem:$0x3FAB] =	sst s5  }
0xe: {  	[smem:$0x3FAC] =	sst s6  }
0xf: {  	[smem:$0x3FAD] =	sst s7  }
0x10: {  	[smem:$0x3FAE] =	sst s8  }
0x11: {  	[smem:$0x3FAF] =	sst s9;
	s0 =	simm.s32 @!p0 $0x0  }
0x12: {  	s1 =	sld [smem:$0x3F95];
	s0 =	simm.s32 @p0 $0x1  }
0x13: {  	[smem:$0x3FB0] =	sst s0;
	s0 =	simm.s32 @!p1 $0x0  }
0x14: {  	s2 =	sld [smem:$0x3F94];
	s0 =	simm.s32 @p1 $0x1  }
0x15: {  	[smem:$0x3FB1] =	sst s0;
	s0 =	simm.s32 @!p2 $0x0  }
0x16: {  	s3 =	sld [smem:$0x3FDB];
	s0 =	simm.s32 @p2 $0x1  }
0x17: {  	s4 =	simm.s32 $0x1BF5;
	[smem:$0x3FB3] =	sst s0  }
0x18: {  	s0 =	sld [smem:$0x3F96];
	_ =	swait.ge [sflag:s4], $0x0  }
0x19: {  	s7 =	sld [smem:$0x3F97]  }
0x1a: {  	s8 =	sadd.s32 $0xFFFFE003, lr  }
0x1b: {  	s9 =	sadd.s32 $0xFFFFFEF7, lr;
	s5 =	simm.s32 $0xFFFFFFFF;
	p2 =	slt.u32 s8, $0xFFFFF086  }
0x1c: {  	p1 =	slt.u32 s9, $0xF7A;
	s5 =	simm.s32 @!p2 $0x0  }
0x1d: {  	s5 =	simm.s32 @p1 $0x1;
	p0 =	seq.s32 s7, s2  }
0x1e: {  	s7 =	smul.u32 @!p0 $0xF7A, s2;
	p2 =	seq.s32 @!p0 s5, $0x0  }
0x1f: {  	s9 =	smul.u32 $0xF7A, s1;
	s8 =	simm.s32 @!p0 $0x1BF5;
	p2 =	por !p2, p0  }
0x20: {  	[sflag:s8] =	ssyncset.s32 @!p0 $0xFFFFF086;
	s6 =	sadd.s32 @!p0 s3, s7;
	s7 =	simm.s32 @!p0 $0x108  }
0x21: {  	s3 =	sadd.s32 s3, s9;
	s6 =	sadd.s32 @!p0 $0x88, s6;
	s7 =	simm.s32 @p2 $0x1082  }
0x22: {  	[simem:s7], [sflag:s8] =	dma.local @!p0 [hbm:s6], $0xF7A  }
0x23: {  	s9 =	sor.u32 $0xD0000000, s2;
	s6 =	simm.s32 $0x108;
	_ =	swait.ge @!p0 [sflag:s8], $0x0  }
0x24: {  	s3 =	sadd.s32 $0x88, s3;
	s6 =	simm.s32 @!p1 $0x1082;
	[sflag:s4] =	ssyncset.s32 $0xFFFFF086  }
0x25: {  	[simem:s6], [sflag:s4] =	dma.local [hbm:s3], $0xF7A  }
0x26: {  	[smem:$0x3F97] =	sst s1;
	(tag) =	ssettag s2;
	_ =	strace s9  }
0x27: {  	s1 =	sld [smem:$0x3FA7]  }
0x28: {  	s2 =	sld [smem:$0x3FA8]  }
0x29: {  	s4 =	sld [smem:$0x3FAA]  }
0x2a: {  	p0 =	seq.s32 s5, $0x0;
	s5 =	sld [smem:$0x3FAB]  }
0x2b: {  	s6 =	sld [smem:$0x3FAC]  }
0x2c: {  	s7 =	sld [smem:$0x3FAD]  }
0x2d: {  	s3 =	simm.s32 $0x108;
	s8 =	sld [smem:$0x3FAE]  }
0x2e: {  	s3 =	simm.s32 @!p0 $0x1082;
	s9 =	sld [smem:$0x3FAF]  }
0x2f: {  	lr =	sadd.s32 s0, s3;
	s0 =	sld [smem:$0x3FA6]  }
0x30: {  	s3 =	sld [smem:$0x3FA9]  }
0x31: {  	[smem:$0x3FB2] =	sst s10  }
0x32: {  	s10 =	sld [smem:$0x3FB0];
	_ =	sdelay $0x3  }
0x33: {  	p0 =	seq.s32 s10, $0x1;
	s10 =	sld [smem:$0x3FB2];
	_ =	sdelay $0x3  }
0x34: {  	[smem:$0x3FB2] =	sst s10  }
0x35: {  	s10 =	sld [smem:$0x3FB1];
	_ =	sdelay $0x3  }
0x36: {  	p1 =	seq.s32 s10, $0x1;
	s10 =	sld [smem:$0x3FB2];
	_ =	sdelay $0x3  }
0x37: {  	[smem:$0x3FB2] =	sst s10  }
0x38: {  	s10 =	sld [smem:$0x3FB3]  }
0x39: {  	_ = 	snop;
	(pc) =	sbr.ind lr, $3  }
0x3a: {  	_ = 	snop  }
0x3b: {  	_ = 	snop  }
0x3c: {  	p2 =	seq.s32 s10, $0x1;
	s10 =	sld [smem:$0x3FB2]  }
0x3d: {  	_ =	shalt  }
0x3e: {  	_ =	shalt  }
0x3f: {  	_ =	shalt  }
0x40: {  	_ =	shalt  }
0x41: {  	_ =	shalt  }
0x42: {  	_ =	shalt  }
0x43: {  	_ =	shalt  }
0x44: {  	_ =	shalt  }
0x45: {  	_ =	shalt  }
0x46: {  	_ =	shalt  }
0x47: {  	_ =	shalt  }
0x48: {  	_ =	shalt  }
0x49: {  	_ =	shalt  }
0x4a: {  	_ =	shalt  }
0x4b: {  	_ =	shalt  }
0x4c: {  	_ =	shalt  }
0x4d: {  	_ =	shalt  }
0x4e: {  	_ =	shalt  }
0x4f: {  	_ =	shalt  }
0x50: {  	_ =	shalt  }
0x51: {  	_ =	shalt  }
0x52: {  	_ =	shalt  }
0x53: {  	_ =	shalt  }
0x54: {  	_ =	shalt  }
0x55: {  	_ =	shalt  }
0x56: {  	_ =	shalt  }
0x57: {  	_ =	shalt  }
0x58: {  	_ =	shalt  }
0x59: {  	_ =	shalt  }
0x5a: {  	_ =	shalt  }
0x5b: {  	_ =	shalt  }
0x5c: {  	_ =	shalt  }
0x5d: {  	_ =	shalt  }
0x5e: {  	_ =	shalt  }
0x5f: {  	_ =	shalt  }
0x60: {  	_ =	shalt  }
0x61: {  	_ =	shalt  }
0x62: {  	_ =	shalt  }
0x63: {  	_ =	shalt  }
0x64: {  	_ =	shalt  }
0x65: {  	_ =	shalt  }
0x66: {  	_ =	shalt  }
0x67: {  	_ =	shalt  }
0x68: {  	_ =	shalt  }
0x69: {  	_ =	shalt  }
0x6a: {  	_ =	shalt  }
0x6b: {  	_ =	shalt  }
0x6c: {  	_ =	shalt  }
0x6d: {  	_ =	shalt  }
0x6e: {  	_ =	shalt  }
0x6f: {  	_ =	shalt  }
0x70: {  	_ =	shalt  }
0x71: {  	_ =	shalt  }
0x72: {  	_ =	shalt  }
0x73: {  	_ =	shalt  }
0x74: {  	_ =	shalt  }
0x75: {  	_ =	shalt  }
0x76: {  	_ =	shalt  }
0x77: {  	_ =	shalt  }
0x78: {  	_ =	shalt  }
0x79: {  	_ =	shalt  }
0x7a: {  	_ =	shalt  }
0x7b: {  	_ =	shalt  }
0x7c: {  	_ =	shalt  }
0x7d: {  	_ =	shalt  }
0x7e: {  	_ =	shalt  }
0x7f: {  	_ =	shalt  }
0x80: {  	_ =	shalt  }
0x81: {  	_ =	shalt  }
0x82: {  	_ =	shalt  }
0x83: {  	_ =	shalt  }
0x84: {  	_ =	shalt  }
0x85: {  	_ =	shalt  }
0x86: {  	_ =	shalt  }
0x87: {  	_ =	shalt  }
.Lfunc_end0:
.L_simem_size_0:
called_computation_lowered:
.L_overlay_start_0:
0x88: {  	s2 =	sld [smem:$0x3FD9]  }
0x89: {  	s3 =	sld [smem:$0x3FFE];
	_ =	sdelay $0x1  }
0x8a: {  	s1 =	srdreg.scid  }
0x8b: {  	s0 =	sand.u32 $0x1, s1  }
0x8c: {  	s16 =	sshll.u32 s0, $0xA;
	s2 =	sadd.s32 s3, s2  }
0x8d: {  	s2 =	sadd.s32 s2, s16  }
0x8e: {  	[smem:$0x3FBE] =	sst s2  }
0x8f: {  	_ = 	snop  }
0x90: {  	(tm) =	ssettm $0x1  }
0x91: {  	s17 =	sld [smem:$0x3FFB];
	_ =	sdelay $0x3  }
0x92: {  	_ =	strace s17  }
0x93: {  	s2 =	sld [smem:$0x3FFC];
	_ =	sdelay $0x3  }
0x94: {  	_ =	strace s2  }
0x95: {  	s2 =	sld [smem:$0x3FFD];
	_ =	sdelay $0x3  }
0x96: {  	_ =	strace s2  }
0x97: {  	_ =	strace $0x8FFFFFFF  }
0x98: {  	s18 =	sld [smem:$0x3FDB];
	_ =	sdelay $0x1  }
0x99: {  	s19 =	simm.s32 $_scs_section_size  }
0x9a: {  	s4 =	simm.s32 $_size__tile_overlayer_lowered;
	s5 =	simm.s32 $_tile_overlayer_lowered  }
0x9b: {  	s22 =	simm.s32 $0x1BFF;
	s21 =	sshll.u32 s5, $0x1;
	s2 =	sadd.s32 s19, s18  }
0x9c: {  	s6 =	simm.s32 $0x0;
	s20 =	sshll.u32 s4, $0x1;
	s4 =	sadd.s32 s21, s2  }
0x9d: {  	[timem:s6], [sflag:s22] =	dma.local [hbm:s4], s20  }
0x9e: {  	_ =	swait.ge [sflag:s22], s20  }
0x9f: {  	s3 =	ssub.s32 $0x0, s20;
	[sflag:s22] =	ssyncset.done $0x0  }
0xa0: {  	[sflag:s22] =	ssyncadd.s32 s3;
	_ =	sdelay $0x1  }
0xa1: {  	s23 =	simm.s32 $0x1B8B  }
0xa2: {  	_ =	swait.ge [sflag:s23], $0x1  }
0xa3: {  	[sflag:s23] =	ssyncset.done $0x0  }
0xa4: {  	s25 =	simm.s32 $0x1B8E;
	s24 =	sld [smem:$0x3FFE];
	[sflag:s23] =	ssyncadd.s32 $0xFFFFFFFF  }
0xa5: {  	s26 =	simm.s32 $execute0_lowered;
	[smem:$0x3FD2] =	sst s25  }
0xa6: {  	s4 =	sshll.u32 s26, $0x1;
	_ =	strace $0x80000046;
	[dreg:$0x1] =	wrdreg $0xFFFFFFFF  }
0xa7: {  	s28 =	simm.s32 $_size_execute0_lowered;
	s2 =	sadd.s32 s2, s4;
	[dreg:$0x0] =	wrdreg $0x0  }
0xa8: {  	s4 =	sshll.u32 s28, $0x1;
	[dreg:$0x2] =	wrdreg s2  }
0xa9: {  	[dreg:$0x3] =	wrdreg s4  }
0xaa: {  	[dreg:$0x4] =	wrdreg $0xC0  }
0xab: {  	_ =	task [dreg:s6], $0x5FFFF  }
0xac: {  	[dreg:$0x1] =	wrdreg $0xFFFFFFFF  }
0xad: {  	[dreg:$0x0] =	wrdreg $0x60  }
0xae: {  	[dreg:$0x2] =	wrdreg s24  }
0xaf: {  	[dreg:$0x3] =	wrdreg $0x82000  }
0xb0: {  	[dreg:$0x4] =	wrdreg $0x9  }
0xb1: {  	_ =	task.clear_ibuf [dreg:s6], $0x5FFFF;
	_ =	strace $0x90000046  }
0xb2: {  	s29 =	simm.s32 $0x9;
	_ =	strace $0x80000048  }
0xb3: {  	_ =	swait.ge [sflag:s29], $0x1  }
0xb4: {  	[sflag:s29] =	ssyncadd.s32 $0xFFFFFFFF  }
0xb5: {  	_ =	strace $0x90000048  }
0xb6: {  	_ =	sfence  }
0xb7: {  	s30 =	sld [smem:$0x0];
	_ =	sdelay $0x2  }
0xb8: {  	s31 =	sshll.u32 s1, $0xD;
	s1 =	sshrl.u32 s1, $0x2  }
0xb9: {  	s3 =	sand.u32 $0x4000, s31;
	s1 =	sadd.s32 s1, s30  }
0xba: {  	s0 =	sor.u32 s3, s0;
	s1 =	sshll.u32 s1, $0x11  }
0xbb: {  	s0 =	sor.u32 s1, s0  }
0xbc: {  	s0 =	sadd.s32 $0x8F2B, s0  }
0xbd: {  	[sflag:s0] =	ssyncadd.remote.s32 $0x1  }
0xbe: {  	_ =	sfence.sel $0xFFFF  }
0xbf: {  	[dreg:$0x0] =	wrdreg $0xFFFFFFFF;
	(pc) =	sbr.abs _section_cstart, $3  }
0xc0: {  	[dreg:$0x1] =	wrdreg $0xFFFFFFFF  }
0xc1: {  	_ =	task.clear_ibuf [dreg:s6], $0x2FFFF;
	_ =	strace $0x9FFFFFFF  }
0xc2: {  	(tm) =	ssettm $0x7FFFFFFF  }
0xc3: {  	_ =	shalt  }
tec
execute0_lowered:
.L_overlay_start_1:
0x0: {  	(tag) =	ssettag $0x1  }
0x1: {  	s0 =	rddreg [dreg:$0x0]  }
0x2: {  	s1 =	rddreg [dreg:$0x1];
	s2 =	simm.s32 $0x0  }
0x3: {  	s3 =	srdreg.scid;
	s13 =	stileid.u32;
	s28 =	simm.s32 $0x100  }
0x4: {  	s30 =	simm.s32 $0x40;
	s31 =	simm.s32 $0x2200;
	[smem:$0x7FF] =	sst s2  }
0x5: {  	s4 =	sadd.s32 $0x16000, s0;
	s3 =	sand.u32 $0x1, s3;
	s5 =	sadd.s32 $0x3D200, s0  }
0x6: {  	s6 =	sadd.s32 $0x2400, s0;
	s10 =	smul.u32 $0x50000, s13;
	_ =	strace $0x80000047  }
0x7: {  	s7 =	sshll.u32 s3, $0x4;
	s11 =	ssub.s32 $0x2, s3;
	s3 =	smul.u32 $0x2800, s3  }
0x8: {  	s9 =	sor.u32 s13, s7;
	s7 =	sadd.s32 $0xC200, s0;
	s13 =	smul.u32 $0x280, s13  }
0x9: {  	s0 =	sadd.s32 $0x52D200, s0;
	s12 =	sshrl.u32 s11, $0x1;
	s8 =	smul.u32 $0x2780, s9  }
0xa: {  	s10 =	sshrl.u32 s10, $0x2;
	s11 =	ssub.s32 s11, s12;
	s14 =	smul.u32 $0x27800, s9  }
0xb: {  	s21 =	sadd.s32 s10, s1;
	s12 =	simm.s32 $0x7;
	s29 =	sadd.s32 s3, s13  }
0xc: {  	s20 =	smax.u32 s11, $0x1;
	s22 =	sadd.s32 $0x4000, s21;
	s23 =	sadd.s32 $0x140, s13  }
0xd: {  	s24 =	sadd.s32 $0x8000, s21;
	s11 =	simm.s32 $0x5;
	[dreg:$0x4] =	wrdreg s21  }
0xe: {  	s13 =	simm.s32 $0x180;
	s25 =	sshrl.u32 s8, $0x3;
	[dreg:$0x9] =	wrdreg s20  }
0xf: {  	s17 =	sadd.s32 s5, s14;
	s18 =	sshll.u32 s29, $0x4;
	[dreg:$0xa] =	wrdreg s22  }
0x10: {  	s14 =	smul.u32 $0x13C000, s9;
	[dreg:$0xb] =	wrdreg s24;
	s3 =	sadd.s32 s3, s23  }
0x11: {  	s9 =	sshll.u32 s23, $0x7;
	s23 =	simm.s32 $0x4200;
	s24 =	simm.s32 $0xB  }
0x12: {  	s15 =	sadd.s32 s6, s25;
	s16 =	sadd.s32 s7, s25;
	[dreg:$0x7] =	wrdreg s17  }
0x13: {  	s19 =	sadd.s32 s0, s18;
	s25 =	sadd.s32 $0xC000, s21;
	[dreg:$0x3] =	wrdreg s15  }
0x14: {  	s3 =	sshll.u32 s3, $0x4;
	s9 =	sadd.s32 s9, s1;
	[dreg:$0x6] =	wrdreg s16  }
0x15: {  	s17 =	simm.s32 $0x9;
	s18 =	simm.s32 $0x4;
	[dreg:$0x8] =	wrdreg s19  }
0x16: {  	s26 =	sadd.s32 $0x8, s15;
	s15 =	sadd.s32 $0xC0, s8;
	[dreg:$0xc] =	wrdreg s25  }
0x17: {  	s0 =	sadd.s32 s0, s3;
	s29 =	sshrl.u32 s9, $0x3;
	[dreg:$0x5] =	wrdreg s26  }
0x18: {  	s3 =	simm.s32 $0x6200;
	s16 =	simm.s32 $0x3;
	[dreg:$0xe] =	wrdreg s0  }
0x19: {  	s19 =	simm.s32 $0x0;
	s26 =	sadd.s32 $0x10000, s21;
	[dreg:$0xf] =	wrdreg s29  }
0x1a: {  	v0 =	vimm.f32 $0.0e+00;
	s0 =	simm.s32 $0x2;
	[dreg:$0xd] =	wrdreg s26;
	s26 =	simm.s32 $0x80  }
.LBB2_1:
0x1b: {  	s9 =	simm.s32 $0x0;
	s20 =	simm.s32 $0x200  }
.LBB2_2:
0x1c: {  	p0 =	sne.s32 s20, $0xFE00;
	[tilespmem:s9+$0x4270] =	vst v0  }
0x1d: {  	[tilespmem:s9+$0x4200] =	vst v0  }
0x1e: {  	[tilespmem:s9+$0x4210] =	vst v0  }
.Ltmp0:
0x1f: {  	[tilespmem:s9+$0x4220] =	vst v0;
	(pc) =	sbr.rel @p0 .LBB2_2-.Ltmp0, $4  }
0x20: {  	[tilespmem:s9+$0x4230] =	vst v0  }
0x21: {  	[tilespmem:s9+$0x4240] =	vst v0  }
0x22: {  	[tilespmem:s9+$0x4250] =	vst v0  }
0x23: {  	[tilespmem:s9+$0x4260] =	vst v0;
	s9 =	sshra.s32 s20, $0x2;
	s20 =	sadd.s32 $0x200, s20  }
0x24: {  	[tilespmem:s9+$0x4270] =	vst v0  }
0x25: {  	[tilespmem:s9+$0x4200] =	vst v0  }
0x26: {  	[tilespmem:s9+$0x4210] =	vst v0  }
0x27: {  	[tilespmem:s9+$0x4220] =	vst v0  }
0x28: {  	[tilespmem:s9+$0x4230] =	vst v0  }
0x29: {  	[tilespmem:s9+$0x4240] =	vst v0  }
0x2a: {  	[tilespmem:s9+$0x4250] =	vst v0  }
0x2b: {  	[tilespmem:s9+$0x4260] =	vst v0  }
0x2c: {  	[spmem:s21] =	stream.linear.scatter [tilespmem:s23], [sflag:$0xB], $0x4000, $0x38;
	[tilespmem:$0x1C200] =	vst v63  }
0x2d: {  	_ =	swait.ge [sflag:s24], $0x4000  }
0x2e: {  	[sflag:s24] =	ssyncset.done $0x0  }
0x2f: {  	s20 =	rddreg [dreg:$0xa];
	[sflag:s24] =	ssyncadd.s32 $0xFFFFC000  }
0x30: {  	[spmem:s20] =	stream.linear.scatter [tilespmem:s23], [sflag:$0xB], $0x4000, $0x38;
	[tilespmem:$0x1C200] =	vst v63  }
0x31: {  	_ =	swait.ge [sflag:s24], $0x4000  }
0x32: {  	[sflag:s24] =	ssyncset.done $0x0  }
0x33: {  	s21 =	rddreg [dreg:$0xb];
	[sflag:s24] =	ssyncadd.s32 $0xFFFFC000  }
0x34: {  	[spmem:s21] =	stream.linear.scatter [tilespmem:s23], [sflag:$0xB], $0x4000, $0x38;
	[tilespmem:$0x1C200] =	vst v63  }
0x35: {  	_ =	swait.ge [sflag:s24], $0x4000  }
0x36: {  	[sflag:s24] =	ssyncset.done $0x0  }
0x37: {  	s22 =	rddreg [dreg:$0xc];
	[sflag:s24] =	ssyncadd.s32 $0xFFFFC000  }
0x38: {  	[spmem:s22] =	stream.linear.scatter [tilespmem:s23], [sflag:$0xB], $0x4000, $0x38;
	[tilespmem:$0x1C200] =	vst v63  }
0x39: {  	_ =	swait.ge [sflag:s24], $0x4000  }
0x3a: {  	[sflag:s24] =	ssyncset.done $0x0  }
0x3b: {  	s25 =	rddreg [dreg:$0xd];
	[sflag:s24] =	ssyncadd.s32 $0xFFFFC000  }
0x3c: {  	[spmem:s25] =	stream.linear.scatter [tilespmem:s23], [sflag:$0xB], $0x4000, $0x38;
	[tilespmem:$0x1C200] =	vst v63  }
0x3d: {  	_ =	swait.ge [sflag:s24], $0x4000  }
0x3e: {  	[sflag:s24] =	ssyncset.done $0x0  }
0x3f: {  	[sflag:s24] =	ssyncadd.s32 $0xFFFFC000  }
0x40: {  	[bflag:$0x0] =	sbarrier.arrive $0xFFFF  }
0x41: {  	s20 =	simm.s32 $0x0;
	s29 =	rddreg [dreg:$0x3]  }
0x42: {  	[tilespmem:s20], [sflag:$0x1] =	stream.linear.gather [hbm4b:s29+s20], $0x40, $0x38;
	[tilespmem:$0x1C200] =	vst v63  }
0x43: {  	s10 =	rddreg [dreg:$0x5]  }
0x44: {  	[tilespmem:s26], [sflag:$0x2] =	stream.linear.gather [hbm4b:s10+s20], $0x40, $0x38;
	[tilespmem:$0x1C200] =	vst v63  }
0x45: {  	s22 =	simm.s32 $0x1;
	s21 =	rddreg [dreg:$0x6]  }
0x46: {  	[tilespmem:s28], [sflag:$0x3] =	stream.linear.gather [hbm4b:s21+s20], $0x40, $0x38;
	[tilespmem:$0x1C200] =	vst v63  }
0x47: {  	_ =	swait.ge [sflag:s22], $0x40  }
0x48: {  	[sflag:s22] =	ssyncset.done $0x0  }
0x49: {  	s25 =	rddreg [dreg:$0x7];
	[sflag:s22] =	ssyncadd.s32 $0xFFFFFFC0  }
0x4a: {  	[tilespmem:s23], [sflag:$0x5] =	stream.linear.gather [hbm4b:s25+s20], $0x2000, $0x38;
	[tilespmem:$0x1C200] =	vst v63  }
0x4b: {  	s29 =	simm.s32 $0x200;
	s21 =	simm.s32 $0x0  }
0x4c: {  	[tilespmem:s29], [sflag:$0x7] =	stream.indirect.gather [hbm4b:s4+s30], $0x80, s20, s30, $0xb8;
	[tilespmem:$0x1C200] =	vst v63  }
.LBB2_4:
0x4d: {  	p0 =	seq.s32 s21, $0x0  }
0x4e: {  	s9 =	simm.s32 @!p0 $0xA  }
0x4f: {  	s22 =	sshll.u32 s21, $0x1;
	_ =	swait.ge @!p0 [sflag:s9], $0x2000  }
0x50: {  	s29 =	sor.u32 $0x1, s22;
	[sflag:s9] =	ssyncset.done @!p0 $0x0  }
0x51: {  	s25 =	sshll.u32 s29, $0xD;
	[sflag:s9] =	ssyncadd.s32 @!p0 $0xFFFFE000  }
0x52: {  	s9 =	sadd.s32 s14, s25;
	_ =	swait.ge [sflag:s0], $0x40  }
0x53: {  	s9 =	sshrl.u32 s9, $0x3;
	[sflag:s0] =	ssyncset.done $0x0  }
0x54: {  	s9 =	sadd.s32 s5, s9;
	[sflag:s0] =	ssyncadd.s32 $0xFFFFFFC0  }
0x55: {  	[tilespmem:s3], [sflag:$0x6] =	stream.linear.gather [hbm4b:s9+s2], $0x2000, $0x38;
	[tilespmem:$0x1C200] =	vst v63  }
0x56: {  	_ = 	snop  }
0x57: {  	[tilespmem:s31], [sflag:$0x8] =	stream.indirect.gather [hbm4b:s4+s30], $0x80, s26, s30, $0xb8;
	[tilespmem:$0x1C200] =	vst v63  }
0x58: {  	_ =	swait.ge [sflag:s11], $0x2000  }
0x59: {  	s25 =	sadd.s32 $0x2, s22;
	p0 =	seq.s32 s21, $0x4E;
	[sflag:s11] =	ssyncset.done $0x0  }
0x5a: {  	s9 =	sshll.u32 @!p0 s25, $0x6;
	[sflag:s11] =	ssyncadd.s32 $0xFFFFE000  }
0x5b: {  	s9 =	sadd.s32 @!p0 s8, s9;
	_ =	swait.ge [sflag:s12], $0x2000  }
0x5c: {  	s22 =	sshrl.u32 @!p0 s9, $0x3;
	[sflag:s12] =	ssyncset.done $0x0  }
0x5d: {  	s10 =	simm.s32 @!p0 $0x0;
	s9 =	sadd.s32 @!p0 s6, s22;
	[sflag:s12] =	ssyncadd.s32 $0xFFFFE000  }
0x5e: {  	[tilespmem:s10], [sflag:$0x1] =	stream.linear.gather @!p0 [hbm4b:s9+s10], $0x40, $0x38;
	[tilespmem:$0x1C200] =	vst v63  }
0x5f: {  	s10 =	sshll.u32 s29, $0x6  }
0x60: {  	s9 =	sadd.s32 s8, s10  }
0x61: {  	s9 =	sshrl.u32 s9, $0x3  }
0x62: {  	s29 =	simm.s32 $0x0;
	s9 =	sadd.s32 s7, s9  }
0x63: {  	[tilespmem:s13], [sflag:$0x4] =	stream.linear.gather [hbm4b:s9+s20], $0x40, $0x38;
	[tilespmem:$0x1C200] =	vst v63  }
0x64: {  	v8 =	vld [tilespmem:s29+$0x200]  }
0x65: {  	v12 =	vld [tilespmem:s29+$0x210]  }
0x66: {  	v6 =	vld [tilespmem:s29+$0x220]  }
0x67: {  	v5 =	vld [tilespmem:s29+$0x230]  }
0x68: {  	v4 =	vld [tilespmem:s29+$0x240]  }
0x69: {  	v3 =	vld [tilespmem:s29+$0x250]  }
0x6a: {  	v2 =	vld [tilespmem:s29+$0x260]  }
0x6b: {  	v1 =	vld [tilespmem:s29+$0x270]  }
0x6c: {  	v13 =	vld [tilespmem:s29+$0x4200]  }
0x6d: {  	v14 =	vld [tilespmem:s29+$0x4210]  }
0x6e: {  	v11 =	vld [tilespmem:s29+$0x4220]  }
0x6f: {  	v10 =	vld [tilespmem:s29+$0x4230]  }
0x70: {  	v9 =	vld [tilespmem:s29+$0x4240]  }
0x71: {  	v7 =	vld [tilespmem:s29+$0x4250];
	v13 =	vmul.f32 v8, v13  }
0x72: {  	s9 =	simm.s32 $0x200;
	v12 =	vmul.f32 v12, v14;
	v8 =	vld [tilespmem:s29+$0x4260]  }
.LBB2_5:
0x73: {  	s10 =	sshra.s32 s9, $0x2;
	p1 =	sne.s32 s9, $0x7E00;
	[tilespmem:s29+$0x4200] =	vst v13;
	v6 =	vmul.f32 v6, v11;
	v11 =	vld [tilespmem:s29+$0x4270]  }
0x74: {  	v13 =	vld [tilespmem:s10+$0x200];
	[tilespmem:s29+$0x4210] =	vst v12;
	v5 =	vmul.f32 v5, v10  }
0x75: {  	v12 =	vld [tilespmem:s10+$0x210];
	[tilespmem:s29+$0x4220] =	vst v6;
	v4 =	vmul.f32 v4, v9  }
0x76: {  	v6 =	vld [tilespmem:s10+$0x220];
	[tilespmem:s29+$0x4230] =	vst v5;
	v3 =	vmul.f32 v3, v7  }
0x77: {  	v5 =	vld [tilespmem:s10+$0x230];
	[tilespmem:s29+$0x4240] =	vst v4;
	v2 =	vmul.f32 v2, v8  }
0x78: {  	v4 =	vld [tilespmem:s10+$0x240];
	[tilespmem:s29+$0x4250] =	vst v3;
	v1 =	vmul.f32 v1, v11  }
0x79: {  	v3 =	vld [tilespmem:s10+$0x250];
	[tilespmem:s29+$0x4260] =	vst v2  }
0x7a: {  	v2 =	vld [tilespmem:s10+$0x260];
	[tilespmem:s29+$0x4270] =	vst v1;
	s29 =	smov.u32 s10  }
0x7b: {  	v1 =	vld [tilespmem:s29+$0x270]  }
0x7c: {  	v7 =	vld [tilespmem:s29+$0x4200]  }
0x7d: {  	v8 =	vld [tilespmem:s29+$0x4210]  }
.Ltmp1:
0x7e: {  	v11 =	vld [tilespmem:s29+$0x4220];
	(pc) =	sbr.rel @p1 .LBB2_5-.Ltmp1, $4  }
0x7f: {  	v10 =	vld [tilespmem:s29+$0x4230]  }
0x80: {  	v9 =	vld [tilespmem:s29+$0x4240]  }
0x81: {  	v13 =	vmul.f32 v13, v7;
	v7 =	vld [tilespmem:s29+$0x4250]  }
0x82: {  	s9 =	sadd.s32 $0x200, s9;
	v12 =	vmul.f32 v12, v8;
	v8 =	vld [tilespmem:s29+$0x4260]  }
0x83: {  	[tilespmem:s29+$0x4200] =	vst v13;
	v6 =	vmul.f32 v6, v11;
	v11 =	vld [tilespmem:s29+$0x4270]  }
0x84: {  	[tilespmem:s29+$0x4210] =	vst v12;
	v5 =	vmul.f32 v5, v10  }
0x85: {  	[tilespmem:s29+$0x4220] =	vst v6;
	v4 =	vmul.f32 v4, v9  }
0x86: {  	[tilespmem:s29+$0x4230] =	vst v5;
	v3 =	vmul.f32 v3, v7  }
0x87: {  	[tilespmem:s29+$0x4240] =	vst v4;
	v2 =	vmul.f32 v2, v8  }
0x88: {  	[tilespmem:s29+$0x4250] =	vst v3;
	v1 =	vmul.f32 v1, v11  }
0x89: {  	[tilespmem:s29+$0x4260] =	vst v2  }
0x8a: {  	[tilespmem:s29+$0x4270] =	vst v1  }
0x8b: {  	_ =	swait.ge [sflag:s16], $0x40  }
0x8c: {  	[sflag:s16] =	ssyncset.done $0x0  }
0x8d: {  	[sflag:s16] =	ssyncadd.s32 $0xFFFFFFC0  }
0x8e: {  	[spmem:s1] =	stream.indirect.scatter.add.f32 [tilespmem:s23], [sflag:$0x9], $0x80, s28, s30, $0xb8;
	[tilespmem:$0x1C200] =	vst v63  }
0x8f: {  	_ =	swait.ge [sflag:s17], $0x2000  }
0x90: {  	[sflag:s17] =	ssyncset.done $0x0  }
0x91: {  	s9 =	simm.s32 @p0 $0x6;
	[sflag:s17] =	ssyncadd.s32 $0xFFFFE000  }
0x92: {  	_ =	swait.ge @p0 [sflag:s9], $0x2000  }
0x93: {  	[sflag:s9] =	ssyncset.done @p0 $0x0  }
0x94: {  	[sflag:s9] =	ssyncadd.s32 @p0 $0xFFFFE000;
	s9 =	simm.s32 @p0 $0x8  }
0x95: {  	_ =	swait.ge @p0 [sflag:s9], $0x2000  }
0x96: {  	[sflag:s9] =	ssyncset.done @p0 $0x0  }
0x97: {  	[sflag:s9] =	ssyncadd.s32 @p0 $0xFFFFE000;
	s9 =	simm.s32 @!p0 $0x1  }
0x98: {  	s10 =	sshll.u32 @!p0 s25, $0xD;
	_ =	swait.ge @!p0 [sflag:s9], $0x40  }
0x99: {  	s10 =	sadd.s32 @!p0 s14, s10;
	[sflag:s9] =	ssyncset.done @!p0 $0x0  }
0x9a: {  	[sflag:s9] =	ssyncadd.s32 @!p0 $0xFFFFFFC0;
	s9 =	sshrl.u32 @!p0 s10, $0x3  }
0x9b: {  	s25 =	simm.s32 @!p0 $0x4200;
	s10 =	simm.s32 @!p0 $0x0;
	s9 =	sadd.s32 @!p0 s5, s9  }
0x9c: {  	[tilespmem:s25], [sflag:$0x5] =	stream.linear.gather @!p0 [hbm4b:s9+s10], $0x2000, $0x38;
	[tilespmem:$0x1C200] =	vst v63  }
0x9d: {  	s9 =	simm.s32 @!p0 $0x40;
	s25 =	simm.s32 @!p0 $0x200  }
0x9e: {  	[tilespmem:s25], [sflag:$0x7] =	stream.indirect.gather @!p0 [hbm4b:s4+s9], $0x80, s10, s9, $0xb8;
	[tilespmem:$0x1C200] =	vst v63  }
0x9f: {  	s9 =	simm.s32 @!p0 $0x6  }
0xa0: {  	_ =	swait.ge @!p0 [sflag:s9], $0x2000  }
0xa1: {  	[sflag:s9] =	ssyncset.done @!p0 $0x0  }
0xa2: {  	s25 =	sshll.u32 @!p0 s21, $0x7;
	[sflag:s9] =	ssyncadd.s32 @!p0 $0xFFFFE000;
	s9 =	simm.s32 @!p0 $0x8  }
0xa3: {  	s25 =	sadd.s32 @!p0 s25, s15;
	_ =	swait.ge @!p0 [sflag:s9], $0x2000  }
0xa4: {  	s25 =	sshrl.u32 @!p0 s25, $0x3;
	[sflag:s9] =	ssyncset.done @!p0 $0x0  }
0xa5: {  	[sflag:s9] =	ssyncadd.s32 @!p0 $0xFFFFE000;
	s9 =	sadd.s32 @!p0 s6, s25;
	s25 =	simm.s32 @!p0 $0x80  }
0xa6: {  	[tilespmem:s25], [sflag:$0x2] =	stream.linear.gather @!p0 [hbm4b:s9+s10], $0x40, $0x38;
	[tilespmem:$0x1C200] =	vst v63  }
0xa7: {  	s9 =	sadd.s32 @!p0 s7, s22;
	s22 =	simm.s32 @!p0 $0x100  }
0xa8: {  	[tilespmem:s22], [sflag:$0x3] =	stream.linear.gather @!p0 [hbm4b:s9+s10], $0x40, $0x38;
	[tilespmem:$0x1C200] =	vst v63  }
0xa9: {  	s22 =	simm.s32 $0x0  }
0xaa: {  	v8 =	vld [tilespmem:s22+$0x2200]  }
0xab: {  	v12 =	vld [tilespmem:s22+$0x2210]  }
0xac: {  	v6 =	vld [tilespmem:s22+$0x2220]  }
0xad: {  	v5 =	vld [tilespmem:s22+$0x2230]  }
0xae: {  	v4 =	vld [tilespmem:s22+$0x2240]  }
0xaf: {  	v3 =	vld [tilespmem:s22+$0x2250]  }
0xb0: {  	v2 =	vld [tilespmem:s22+$0x2260]  }
0xb1: {  	v1 =	vld [tilespmem:s22+$0x2270]  }
0xb2: {  	v13 =	vld [tilespmem:s22+$0x6200]  }
0xb3: {  	v14 =	vld [tilespmem:s22+$0x6210]  }
0xb4: {  	v11 =	vld [tilespmem:s22+$0x6220]  }
0xb5: {  	v10 =	vld [tilespmem:s22+$0x6230]  }
0xb6: {  	v9 =	vld [tilespmem:s22+$0x6240]  }
0xb7: {  	v7 =	vld [tilespmem:s22+$0x6250];
	v13 =	vmul.f32 v8, v13  }
0xb8: {  	s9 =	simm.s32 $0x200;
	v12 =	vmul.f32 v12, v14;
	v8 =	vld [tilespmem:s22+$0x6260]  }
.LBB2_7:
0xb9: {  	s10 =	sshra.s32 s9, $0x2;
	p0 =	sne.s32 s9, $0x7E00;
	[tilespmem:s22+$0x6200] =	vst v13;
	v6 =	vmul.f32 v6, v11;
	v11 =	vld [tilespmem:s22+$0x6270]  }
0xba: {  	v13 =	vld [tilespmem:s10+$0x2200];
	[tilespmem:s22+$0x6210] =	vst v12;
	v5 =	vmul.f32 v5, v10  }
0xbb: {  	v12 =	vld [tilespmem:s10+$0x2210];
	[tilespmem:s22+$0x6220] =	vst v6;
	v4 =	vmul.f32 v4, v9  }
0xbc: {  	v6 =	vld [tilespmem:s10+$0x2220];
	[tilespmem:s22+$0x6230] =	vst v5;
	v3 =	vmul.f32 v3, v7  }
0xbd: {  	v5 =	vld [tilespmem:s10+$0x2230];
	[tilespmem:s22+$0x6240] =	vst v4;
	v2 =	vmul.f32 v2, v8  }
0xbe: {  	v4 =	vld [tilespmem:s10+$0x2240];
	[tilespmem:s22+$0x6250] =	vst v3;
	v1 =	vmul.f32 v1, v11  }
0xbf: {  	v3 =	vld [tilespmem:s10+$0x2250];
	[tilespmem:s22+$0x6260] =	vst v2  }
0xc0: {  	v2 =	vld [tilespmem:s10+$0x2260];
	[tilespmem:s22+$0x6270] =	vst v1;
	s22 =	smov.u32 s10  }
0xc1: {  	v1 =	vld [tilespmem:s22+$0x2270]  }
0xc2: {  	v7 =	vld [tilespmem:s22+$0x6200]  }
0xc3: {  	v8 =	vld [tilespmem:s22+$0x6210]  }
.Ltmp2:
0xc4: {  	v11 =	vld [tilespmem:s22+$0x6220];
	(pc) =	sbr.rel @p0 .LBB2_7-.Ltmp2, $4  }
0xc5: {  	v10 =	vld [tilespmem:s22+$0x6230]  }
0xc6: {  	v9 =	vld [tilespmem:s22+$0x6240]  }
0xc7: {  	v13 =	vmul.f32 v13, v7;
	v7 =	vld [tilespmem:s22+$0x6250]  }
0xc8: {  	s9 =	sadd.s32 $0x200, s9;
	v12 =	vmul.f32 v12, v8;
	v8 =	vld [tilespmem:s22+$0x6260]  }
0xc9: {  	[tilespmem:s22+$0x6200] =	vst v13;
	v6 =	vmul.f32 v6, v11;
	v63 =	vld [tilespmem:s22+$0x6270]  }
0xca: {  	[tilespmem:s22+$0x6210] =	vst v12;
	v5 =	vmul.f32 v5, v10  }
0xcb: {  	[tilespmem:s22+$0x6220] =	vst v6;
	v4 =	vmul.f32 v4, v9  }
0xcc: {  	[tilespmem:s22+$0x6230] =	vst v5;
	v3 =	vmul.f32 v3, v7  }
0xcd: {  	[tilespmem:s22+$0x6240] =	vst v4;
	v2 =	vmul.f32 v2, v8  }
0xce: {  	s21 =	sadd.s32 $0x1, s21;
	[tilespmem:s22+$0x6250] =	vst v3;
	v1 =	vmul.f32 v1, v63  }
0xcf: {  	p0 =	sne.s32 s21, $0x4F;
	[tilespmem:s22+$0x6260] =	vst v2  }
.Ltmp3:
0xd0: {  	[tilespmem:s22+$0x6270] =	vst v1;
	(pc) =	sbr.rel @p0 .LBB2_4-.Ltmp3, $4  }
0xd1: {  	_ =	swait.ge [sflag:s18], $0x40  }
0xd2: {  	[sflag:s18] =	ssyncset.done $0x0  }
0xd3: {  	[sflag:s18] =	ssyncadd.s32 $0xFFFFFFC0  }
0xd4: {  	[spmem:s1] =	stream.indirect.scatter.add.f32 [tilespmem:s3], [sflag:$0xA], $0x80, s13, s30, $0xb8;
	[tilespmem:$0x1C200] =	vst v63  }
0xd5: {  	s9 =	simm.s32 $0xA  }
0xd6: {  	_ =	swait.ge [sflag:s9], $0x2000  }
0xd7: {  	[sflag:s9] =	ssyncset.done $0x0  }
0xd8: {  	[sflag:s9] =	ssyncadd.s32 $0xFFFFE000  }
0xd9: {  	s21 =	stileid.u32;
	[bflag:$0x0] =	sbarrier.arrive $0xFFFF  }
0xda: {  	s9 =	sshll.u32 s21, $0x6;
	s21 =	rddreg [dreg:$0x4]  }
0xdb: {  	s9 =	sor.u32 $0x1C0B, s9;
	s20 =	rddreg [dreg:$0x8];
	s10 =	sshrl.u32 s21, $0x3  }
0xdc: {  	[hbm:s20], [sflag:s9] =	dma.local [spmem:s10], $0x1400  }
0xdd: {  	_ =	swait.ge [sflag:s24], $0x1400  }
0xde: {  	[sflag:s24] =	ssyncset.done $0x0;
	s22 =	rddreg [dreg:$0xe]  }
0xdf: {  	s25 =	rddreg [dreg:$0xf];
	[sflag:s24] =	ssyncadd.s32 $0xFFFFEC00  }
0xe0: {  	[hbm:s22], [sflag:s9] =	dma.local [spmem:s25], $0x1400  }
0xe1: {  	_ =	swait.ge [sflag:s24], $0x1400  }
0xe2: {  	s19 =	sadd.s32 $0x1, s19;
	s29 =	rddreg [dreg:$0x9]  }
0xe3: {  	p0 =	sne.s32 s19, s29  }
.Ltmp4:
0xe4: {  	_ = 	snop;
	(pc) =	sbr.rel @p0 .LBB2_1-.Ltmp4, $3  }
0xe5: {  	_ =	sdelay $0x1  }
0xe6: {  	[sflag:s24] =	ssyncset.done $0x0  }
0xe7: {  	[sflag:s24] =	ssyncadd.s32 $0xFFFFEC00  }
0xe8: {  	_ =	sfence.sel $0x180000  }
0xe9: {  	[bflag:$0x0] =	sbarrier.arrive $0xFFFF  }
0xea: {  	_ =	strace $0x90000047  }
0xeb: {  	s0 =	stileid.u32;
	[bflag:$0x2] =	sbarrier.arrive $0xFFFF  }
0xec: {  	p0 =	sne.s32 s0, $0x0;
	s0 =	rddreg [dreg:$0x2]  }
0xed: {  	s0 =	sadd.s32 @!p0 $0x100000, s0  }
0xee: {  	[sflag:s0] =	ssyncadd.tile.s32 @!p0 $0x1;
	_ =	shalt  }
.Lfunc_end2:
_tile_overlayer_lowered:
.L_overlay_start_2:
0xef: {  	(tag) =	ssettag $0x2  }
0xf0: {  	s0 =	rddreg [dreg:$0x0];
	s2 =	stileid.u32  }
0xf1: {  	s1 =	rddreg [dreg:$0x1];
	p0 =	sne.s32 s2, $0x0  }
0xf2: {  	s3 =	rddreg [dreg:$0x2];
	[bflag:$0x3] =	sbarrier.arrive $0xFFFF;
	s2 =	simm.s32 @!p0 $0x1C0B  }
0xf3: {  	[timem:s3], [sflag:s2] =	dma.local @!p0 [hbm:s0], s1  }
0xf4: {  	s0 =	simm.s32 @!p0 $0xB  }
0xf5: {  	_ =	swait.ge @!p0 [sflag:s0], s1  }
0xf6: {  	s1 =	ssub.s32 @!p0 $0x0, s1;
	[sflag:s0] =	ssyncset.done @!p0 $0x0  }
0xf7: {  	[sflag:s0] =	ssyncadd.s32 @!p0 s1  }
0xf8: {  	[bflag:$0x3] =	sbarrier.arrive $0xFFFF  }
0xf9: {  	_ =	shalt  }

</sc_bundles>
